<compile_context>
chip_gen: v7x
topology: tpu7x:2x2x1
jax: 0.10.2.dev20260603
libtpu: 0.0.44.dev20260713+nightly
codegen_flags: <defaults>
</compile_context>

<pallas_src>
import functools

import jax
import jax.numpy as jnp
from jax import lax
from jax.experimental import pallas as pl
from jax.experimental.pallas import tpu as pltpu

K = 32
CP = 48
QT = 512


def _preconv_body(x_ref, w0_ref, b0_ref, w1_ref, b1_ref, h_ref, ft_ref):
    x = x_ref[0]
    f0 = jnp.maximum(jnp.dot(w0_ref[...], x, preferred_element_type=jnp.float32)
                     + b0_ref[...], 0.0)
    f = jnp.maximum(jnp.dot(w1_ref[...], f0, preferred_element_type=jnp.float32)
                    + b1_ref[...], 0.0)
    h_ref[0] = f
    ft = jnp.transpose(f)
    ft_ref[0, :, 0:CP] = ft
    ft_ref[0, :, CP:] = jnp.zeros_like(ft_ref[0, :, CP:])


def _assa_body(s_ref, st_ref, qt_ref, h_ref, fq_ref, w2_ref, b2_ref,
               wskip_ref, out_ref, d_ref):
    S = s_ref[0]
    q = qt_ref[0]
    N = S.shape[0]
    ss = jnp.sum(S * S, axis=1, keepdims=True)
    qq = jnp.sum(q * q, axis=0, keepdims=True)
    d_ref[...] = (ss + qq
                  - 2.0 * jnp.dot(S, q, preferred_element_type=jnp.float32))


    def g_of(x):
        b = lax.bitcast_convert_type(x, jnp.int32)
        return jnp.where(b >= 0, b, b ^ jnp.int32(0x7FFFFFFF))

    def ginv(gbits):
        b = jnp.where(gbits >= 0, gbits, gbits ^ jnp.int32(0x7FFFFFFF))
        return lax.bitcast_convert_type(b, jnp.float32)

    def cseed(c, carry):
        mn, bd, sm = carry
        base = pl.multiple_of(c * 128, 128)
        blkmin = jnp.min(d_ref[pl.ds(base, 128), :], axis=0, keepdims=True)
        return (jnp.minimum(mn, blkmin), jnp.maximum(bd, blkmin), sm + blkmin)
    mn0, bd0, sum0 = lax.fori_loop(
        0, N // 128, cseed,
        (jnp.full((1, QT), jnp.inf, jnp.float32),
         jnp.full((1, QT), -jnp.inf, jnp.float32),
         jnp.zeros((1, QT), jnp.float32)))
    tmean = sum0 * (1.0 / (N // 128))

    lo0 = g_of(mn0) - 1
    hi0 = g_of(bd0)
    state0 = (lo0, hi0,
              jnp.zeros((1, QT), jnp.float32),
              jnp.full((1, QT), 3.0 * K, jnp.float32),
              ginv(hi0),
              jnp.zeros((1, QT), jnp.float32),
              jnp.int32(0))

    def q_cond(st):
        _, _, _, _, _, done, it = st
        return jnp.logical_and(jnp.any(done < 0.5), it < 64)

    def q_body(st):
        lo, hi, clo, chi, tstar, done, it = st
        t_lo, t_hi = ginv(lo), ginv(hi)
        denom = jnp.maximum(chi - clo, 1.0)
        tcand = t_lo + (t_hi - t_lo) * ((float(K) + 0.5) - clo) / denom
        pcand = jnp.where(it == 0, g_of(tmean), g_of(tcand))
        pbis = lo + lax.shift_right_logical(hi - lo, 1)
        pa = jnp.clip(pcand, lo + 1, jnp.maximum(lo + 1, hi - 1))
        pb = jnp.clip(pbis, lo + 1, jnp.maximum(lo + 1, hi - 1))
        p1 = jnp.minimum(pa, pb)
        p2 = jnp.maximum(pa, pb)
        t1, t2 = ginv(p1), ginv(p2)
        dd = d_ref[...]
        c1 = jnp.sum(jnp.where(dd <= t1, 1.0, 0.0), axis=0, keepdims=True)
        c2 = jnp.sum(jnp.where(dd <= t2, 1.0, 0.0), axis=0, keepdims=True)
        notdone = done < 0.5
        hit1 = c1 == float(K)
        hit2 = jnp.logical_and(c2 == float(K), jnp.logical_not(hit1))
        hit = jnp.logical_and(jnp.logical_or(hit1, hit2), notdone)
        gapdone = jnp.logical_and((hi - lo) <= 1,
                                  jnp.logical_and(notdone, jnp.logical_not(hit)))
        tstar = jnp.where(jnp.logical_and(notdone, hit1), t1,
                jnp.where(jnp.logical_and(notdone, hit2), t2,
                jnp.where(gapdone, t_hi, tstar)))
        done = jnp.maximum(done, jnp.where(
            jnp.logical_or(hit, gapdone), 1.0, 0.0))
        upd = done < 0.5
        b2lt = c2 < float(K)
        b1lt = c1 < float(K)
        lo = jnp.where(jnp.logical_and(upd, b2lt), p2,
             jnp.where(jnp.logical_and(upd, b1lt), p1, lo))
        clo = jnp.where(jnp.logical_and(upd, b2lt), c2,
              jnp.where(jnp.logical_and(upd, b1lt), c1, clo))
        g1 = jnp.logical_not(b1lt)
        g2 = jnp.logical_not(b2lt)
        hi = jnp.where(jnp.logical_and(upd, g1), p1,
             jnp.where(jnp.logical_and(upd, g2), p2, hi))
        chi = jnp.where(jnp.logical_and(upd, g1), c1,
              jnp.where(jnp.logical_and(upd, g2), c2, chi))
        return lo, hi, clo, chi, tstar, done, it + 1

    _, hi_f, _, _, tstar_f, done_f, _ = lax.while_loop(q_cond, q_body, state0)
    t_v = jnp.where(done_f > 0.5, tstar_f, ginv(hi_f))
    MT = (d_ref[...] <= t_v).astype(jnp.bfloat16)
    f = h_ref[0]
    st = st_ref[0]
    H = jnp.concatenate(
        [f, f * st[0:1], f * st[1:2], f * st[2:3]],
        axis=0).astype(jnp.bfloat16)
    ST = jnp.dot(H, MT, preferred_element_type=jnp.float32) * (1.0 / K)

    fq = fq_ref[0, :, 0:CP]

    G = ST[0:CP]
    A = jnp.concatenate([
        ST[CP:2 * CP] - q[0:1] * G,
        ST[2 * CP:3 * CP] - q[1:2] * G,
        ST[3 * CP:4 * CP] - q[2:3] * G,
    ], axis=0)
    term = jnp.dot(w2_ref[...], A, preferred_element_type=jnp.float32) + b2_ref[...]
    skip = lax.dot_general(wskip_ref[...], fq, (((1,), (1,)), ((), ())),
                           preferred_element_type=jnp.float32)
    out_ref[0] = jnp.maximum(term + skip, 0.0)


def _sc_gather_rows(table, idx):
    from jax.experimental.pallas import tpu_sc as plsc
    info = plsc.get_sparse_core_info()
    nw = info.num_cores * info.num_subcores
    bq = idx.shape[0]
    bpw = bq // nw
    mesh = plsc.VectorSubcoreMesh(core_axis_name="c", subcore_axis_name="s")

    @functools.partial(
        pl.kernel, mesh=mesh,
        out_type=jax.ShapeDtypeStruct((bq, table.shape[1]), jnp.float32),
        scratch_types=[
            pltpu.VMEM((bpw,), jnp.int32),
            pltpu.VMEM((bpw, table.shape[1]), jnp.float32),
            pltpu.SemaphoreType.DMA,
        ],
    )
    def gk(tab_hbm, idx_hbm, out_hbm, idx_v, rows_v, sem):
        wid = lax.axis_index("s") * info.num_cores + lax.axis_index("c")
        base = wid * bpw
        pltpu.sync_copy(idx_hbm.at[pl.ds(base, bpw)], idx_v)
        pltpu.async_copy(tab_hbm.at[idx_v], rows_v, sem).wait()
        pltpu.sync_copy(rows_v, out_hbm.at[pl.ds(base, bpw)])

    return gk(table, idx)


def kernel(query_xyz, support_xyz, features, query_idx, W0, b0, W1, b1, W2, b2, Wskip):
    B, NP, _ = query_xyz.shape
    N = support_xyz.shape[1]
    Cin = features.shape[1]
    Cmid = W1.shape[0]
    Cout = W2.shape[0]

    W1p = jnp.pad(W1, ((0, CP - Cmid), (0, 0)))
    b1p = jnp.pad(b1, (0, CP - Cmid))[:, None]
    W2p = jnp.pad(W2.reshape(Cout, 3, Cmid), ((0, 0), (0, 0), (0, CP - Cmid))
                  ).reshape(Cout, 3 * CP)
    Wskipp = jnp.pad(Wskip, ((0, 0), (0, CP - Cmid)))
    b0c = b0[:, None]
    b2c = b2[:, None]
    sT = jnp.transpose(support_xyz, (0, 2, 1))
    qT = jnp.transpose(query_xyz, (0, 2, 1))

    NT = 512
    H, fT = pl.pallas_call(
        _preconv_body,
        grid=(B, N // NT),
        in_specs=[
            pl.BlockSpec((1, Cin, NT), lambda b, n: (b, 0, n)),
            pl.BlockSpec((Cin, Cin), lambda b, n: (0, 0)),
            pl.BlockSpec((Cin, 1), lambda b, n: (0, 0)),
            pl.BlockSpec((CP, Cin), lambda b, n: (0, 0)),
            pl.BlockSpec((CP, 1), lambda b, n: (0, 0)),
        ],
        out_specs=[
            pl.BlockSpec((1, CP, NT), lambda b, n: (b, 0, n)),
            pl.BlockSpec((1, NT, 128), lambda b, n: (b, n, 0)),
        ],
        out_shape=[
            jax.ShapeDtypeStruct((B, CP, N), jnp.float32),
            jax.ShapeDtypeStruct((B, N, 128), jnp.float32),
        ],
        compiler_params=pltpu.CompilerParams(
            dimension_semantics=("parallel", "parallel")),
    )(features, W0, b0c, W1p, b1p)

    flat_idx = (query_idx.astype(jnp.int32)
                + jnp.arange(B, dtype=jnp.int32)[:, None] * N).reshape(-1)
    fq = _sc_gather_rows(fT.reshape(B * N, 128), flat_idx).reshape(B, NP, 128)

    out = pl.pallas_call(
        _assa_body,
        grid=(B, NP // QT),
        in_specs=[
            pl.BlockSpec((1, N, 3), lambda b, t: (b, 0, 0)),
            pl.BlockSpec((1, 3, N), lambda b, t: (b, 0, 0)),
            pl.BlockSpec((1, 3, QT), lambda b, t: (b, 0, t)),
            pl.BlockSpec((1, CP, N), lambda b, t: (b, 0, 0)),
            pl.BlockSpec((1, QT, 128), lambda b, t: (b, t, 0)),
            pl.BlockSpec((Cout, 3 * CP), lambda b, t: (0, 0)),
            pl.BlockSpec((Cout, 1), lambda b, t: (0, 0)),
            pl.BlockSpec((Cout, CP), lambda b, t: (0, 0)),
        ],
        out_specs=pl.BlockSpec((1, Cout, QT), lambda b, t: (b, 0, t)),
        out_shape=jax.ShapeDtypeStruct((B, Cout, NP), jnp.float32),
        scratch_shapes=[pltpu.VMEM((N, QT), jnp.float32)],
        compiler_params=pltpu.CompilerParams(
            dimension_semantics=("parallel", "parallel")),
    )(support_xyz, sT, qT, H, fq, W2p, b2c, Wskipp)
    return out

# --- scband reference (transcript-rebuilt; emitter-appended) ---
"""Pipeline reference for scband-assa-9208409883139 (READ-ONLY COPY).

The authoritative reference and input builder live on the scoring server;
editing this copy changes nothing except your own understanding.
"""

import jax, jax.numpy as jnp
import numpy as np

NSAMPLE = 32


def _conv1d(x, W, b):
    # 1x1 conv over [B, C, N]
    return jnp.einsum('oc,bcn->bon', W, x) + b[None, :, None]


def setup_inputs(seed: int = 0) -> dict:
    key = jax.random.key(seed)
    ks = jax.random.split(key, 12)
    B, N, NP = 8, 4096, 1024
    Cin, C1, Cmid, Cout = 128, 128, 43, 256  # Cmid = ceil(128/3) per assa channel adjustment
    return {
        'query_xyz': jax.random.normal(ks[0], (B, NP, 3), jnp.float32),
        'support_xyz': jax.random.normal(ks[1], (B, N, 3), jnp.float32),
        'features': jax.random.normal(ks[2], (B, Cin, N), jnp.float32),
        'query_idx': jax.random.randint(ks[3], (B, NP), 0, N, jnp.int32),
        'W0': jax.random.normal(ks[4], (C1, Cin), jnp.float32) * 0.05,
        'b0': jax.random.normal(ks[5], (C1,), jnp.float32) * 0.05,
        'W1': jax.random.normal(ks[6], (Cmid, C1), jnp.float32) * 0.05,
        'b1': jax.random.normal(ks[7], (Cmid,), jnp.float32) * 0.05,
        'W2': jax.random.normal(ks[8], (Cout, 3 * Cmid), jnp.float32) * 0.05,
        'b2': jax.random.normal(ks[9], (Cout,), jnp.float32) * 0.05,
        'Wskip': jax.random.normal(ks[10], (Cout, Cmid), jnp.float32) * 0.05,
    }


def reference(query_xyz, support_xyz, features, query_idx, W0, b0, W1, b1, W2, b2, Wskip):
    # pre-convs (convs[:num_preconv]) with relu act, no norm
    f = jax.nn.relu(_conv1d(features, W0, b0))
    f = jax.nn.relu(_conv1d(f, W1, b1))  # [B, Cmid, N]
    # grouper: knn over xyz, returns dp (relative coords) and fj (grouped features)
    qq = jnp.sum(query_xyz ** 2, -1)[:, :, None]
    ss = jnp.sum(support_xyz ** 2, -1)[:, None, :]
    d2 = qq + ss - 2.0 * jnp.einsum('bqd,bnd->bqn', query_xyz, support_xyz)  # [B, NP, N]
    _, idx = jax.lax.top_k(-d2, NSAMPLE)  # [B, NP, K]
    grouped_xyz = jax.vmap(lambda s, i: s[i])(support_xyz, idx)  # [B, NP, K, 3]
    dp = jnp.transpose(grouped_xyz - query_xyz[:, :, None, :], (0, 3, 1, 2))  # [B, 3, NP, K]
    fj = jax.vmap(lambda fb, i: fb[:, i])(f, idx)  # [B, Cmid, NP, K]
    # residual features gathered at query_idx
    f_q = jax.vmap(lambda fb, qi: fb[:, qi])(f, query_idx)  # [B, Cmid, NP]
    # assa: fj expanded by 3 and multiplied by dp, then channel-flattened
    fj3 = fj[:, None, :, :, :] * dp[:, :, None, :, :]  # [B, 3, Cmid, NP, K]
    B_, _, C_, NP_, K_ = fj3.shape
    fj3 = fj3.reshape(B_, 3 * C_, NP_, K_)
    out = jnp.mean(fj3, axis=-1)  # [B, 3*Cmid, NP]
    # post conv (no activation since use_res and last layer)
    out = _conv1d(out, W2, b2)  # [B, Cout, NP]
    skip = jnp.einsum('oc,bcn->bon', Wskip, f_q)  # skip_layer Conv1d(Cmid, Cout, 1, bias=False)
    return jax.nn.relu(out + skip)

if __name__ == "__main__":
    import jax
    _d = setup_inputs()
    print(jax.jit(kernel)(*tuple(_d.values())))

</pallas_src>

<mosaic_0001>
#map = affine_map<(d0, d1) -> (0, 0)>
#map1 = affine_map<(d0, d1) -> (0)>
module attributes {stable_mosaic.version = 14 : i64} {
  func.func @gk(%arg0: i32, %arg1: i32, %arg2: memref<32768x128xf32, #tpu.memory_space<hbm>>, %arg3: memref<8192xi32, #tpu.memory_space<hbm>>, %arg4: memref<8192x128xf32, #tpu.memory_space<hbm>>, %arg5: memref<256xi32, #tpu.memory_space<vmem>>, %arg6: memref<256x128xf32, #tpu.memory_space<vmem>>, %arg7: memref<!tpu.dma_semaphore, #tpu.memory_space<semaphore_mem>>) attributes {dimension_semantics = [#tpu.dimension_semantics<core_parallel>, #tpu.dimension_semantics<subcore_parallel>], iteration_bounds = array<i64: 2, 16>, scalar_prefetch = 0 : i64, scratch_operands = 3 : i64, tpu.core_type = #tpu.core_type<sc_vector_subcore>, window_params = [{transform_indices = #map}, {transform_indices = #map1}, {transform_indices = #map}]} {
    %mul3A = arith.constant 2 : i32
    %mul3A_0 = arith.muli %arg1, %mul3A : i32
    %add3A = arith.addi %mul3A_0, %arg0 : i32
    %mul3A_1 = arith.constant 256 : i32
    %mul3A_2 = arith.muli %add3A, %mul3A_1 : i32
    "tpu.region"() ({
      %run_scoped3A = tpu.sem_alloc : memref<!tpu.dma_semaphore, #tpu.memory_space<semaphore_mem>>
      %dma_start3A_7 = tpu.memref_slice %arg3[%mul3A_2] : memref<8192xi32, #tpu.memory_space<hbm>> -> memref<256xi32, #tpu.memory_space<hbm>>
      %dma_start3A_8 = tpu.memref_slice %arg3[%mul3A_2] : memref<8192xi32, #tpu.memory_space<hbm>> -> memref<256xi32, #tpu.memory_space<hbm>>
      tpu.enqueue_dma source(%dma_start3A_8 : memref<256xi32, #tpu.memory_space<hbm>>) target(%arg5 : memref<256xi32, #tpu.memory_space<vmem>>) target_semaphore(%run_scoped3A : memref<!tpu.dma_semaphore, #tpu.memory_space<semaphore_mem>>)
      %dma_wait3A_9 = tpu.memref_slice %arg3[%mul3A_2] : memref<8192xi32, #tpu.memory_space<hbm>> -> memref<256xi32, #tpu.memory_space<hbm>>
      %dma_wait3A_10 = tpu.memref_slice %arg3[%mul3A_2] : memref<8192xi32, #tpu.memory_space<hbm>> -> memref<256xi32, #tpu.memory_space<hbm>>
      tpu.wait_dma2 semaphore(%run_scoped3A : memref<!tpu.dma_semaphore, #tpu.memory_space<semaphore_mem>>) src(%dma_wait3A_10 : memref<256xi32, #tpu.memory_space<hbm>>) dst(%arg5 : memref<256xi32, #tpu.memory_space<vmem>>)
      tpu.yield
    }) : () -> ()
    %dma_start3A = arith.constant 0 : i32
    %dma_start3A_3 = arith.constant 0 : i32
    %dma_start3A_4 = tpu.memref_slice %arg2[%dma_start3A, %dma_start3A_3] : memref<32768x128xf32, #tpu.memory_space<hbm>> -> memref<32768x128xf32, #tpu.memory_space<hbm>>
    tpu.enqueue_indirect_dma source(%dma_start3A_4 : memref<32768x128xf32, #tpu.memory_space<hbm>>) target(%arg6 : memref<256x128xf32, #tpu.memory_space<vmem>>) offsets(%arg5 : memref<256xi32, #tpu.memory_space<vmem>>) semaphore(%arg7 : memref<!tpu.dma_semaphore, #tpu.memory_space<semaphore_mem>>)
    %dma_wait3A = arith.constant 0 : i32
    %dma_wait3A_5 = arith.constant 0 : i32
    %dma_wait3A_6 = tpu.memref_slice %arg2[%dma_wait3A, %dma_wait3A_5] : memref<32768x128xf32, #tpu.memory_space<hbm>> -> memref<32768x128xf32, #tpu.memory_space<hbm>>
    tpu.wait_indirect_dma semaphore(%arg7 : memref<!tpu.dma_semaphore, #tpu.memory_space<semaphore_mem>>) src(%dma_wait3A_6 : memref<32768x128xf32, #tpu.memory_space<hbm>>) dst(%arg6 : memref<256x128xf32, #tpu.memory_space<vmem>>)
    "tpu.region"() ({
      %run_scoped3A = tpu.sem_alloc : memref<!tpu.dma_semaphore, #tpu.memory_space<semaphore_mem>>
      %dma_start3A_7 = arith.constant 0 : i32
      %dma_start3A_8 = tpu.memref_slice %arg4[%mul3A_2, %dma_start3A_7] : memref<8192x128xf32, #tpu.memory_space<hbm>> -> memref<256x128xf32, #tpu.memory_space<hbm>>
      %dma_start3A_9 = arith.constant 0 : i32
      %dma_start3A_10 = tpu.memref_slice %arg4[%mul3A_2, %dma_start3A_9] : memref<8192x128xf32, #tpu.memory_space<hbm>> -> memref<256x128xf32, #tpu.memory_space<hbm>>
      tpu.enqueue_dma source(%arg6 : memref<256x128xf32, #tpu.memory_space<vmem>>) target(%dma_start3A_10 : memref<256x128xf32, #tpu.memory_space<hbm>>) target_semaphore(%run_scoped3A : memref<!tpu.dma_semaphore, #tpu.memory_space<semaphore_mem>>)
      %dma_wait3A_11 = arith.constant 0 : i32
      %dma_wait3A_12 = tpu.memref_slice %arg4[%mul3A_2, %dma_wait3A_11] : memref<8192x128xf32, #tpu.memory_space<hbm>> -> memref<256x128xf32, #tpu.memory_space<hbm>>
      %dma_wait3A_13 = arith.constant 0 : i32
      %dma_wait3A_14 = tpu.memref_slice %arg4[%mul3A_2, %dma_wait3A_13] : memref<8192x128xf32, #tpu.memory_space<hbm>> -> memref<256x128xf32, #tpu.memory_space<hbm>>
      tpu.wait_dma2 semaphore(%run_scoped3A : memref<!tpu.dma_semaphore, #tpu.memory_space<semaphore_mem>>) src(%arg6 : memref<256x128xf32, #tpu.memory_space<vmem>>) dst(%dma_wait3A_14 : memref<256x128xf32, #tpu.memory_space<hbm>>)
      tpu.yield
    }) : () -> ()
    return
  }
}

module attributes {stable_mosaic.version = 14 : i64} {
  func.func @_preconv_body(%arg0: i32, %arg1: i32, %arg2: memref<1x128x512xf32, #tpu.memory_space<vmem>>, %arg3: memref<128x128xf32, #tpu.memory_space<vmem>>, %arg4: memref<128x1xf32, #tpu.memory_space<vmem>>, %arg5: memref<48x128xf32, #tpu.memory_space<vmem>>, %arg6: memref<48x1xf32, #tpu.memory_space<vmem>>, %arg7: memref<1x48x512xf32, #tpu.memory_space<vmem>>, %arg8: memref<1x512x128xf32, #tpu.memory_space<vmem>>) attributes {dimension_semantics = [#tpu.dimension_semantics<parallel>, #tpu.dimension_semantics<parallel>], iteration_bounds = array<i64: 8, 8>, scalar_prefetch = 0 : i64, scratch_operands = 0 : i64, tpu.core_type = #tpu.core_type<tc>, window_params = [{transform_indices = @transform_0, window_bounds = array<i64: 1, 128, 512>}, {pipeline_mode = #tpu.pipeline_mode<synchronous>, transform_indices = @transform_1, window_bounds = array<i64: 128, 128>}, {pipeline_mode = #tpu.pipeline_mode<synchronous>, transform_indices = @transform_2, window_bounds = array<i64: 128, 1>}, {pipeline_mode = #tpu.pipeline_mode<synchronous>, transform_indices = @transform_3, window_bounds = array<i64: 48, 128>}, {pipeline_mode = #tpu.pipeline_mode<synchronous>, transform_indices = @transform_4, window_bounds = array<i64: 48, 1>}, {transform_indices = @transform_5, window_bounds = array<i64: 1, 48, 512>}, {transform_indices = @transform_6, window_bounds = array<i64: 1, 512, 128>}]} {
    %get3A = arith.constant 0 : index
    %get3A_0 = arith.constant 0 : index
    %get3A_1 = arith.constant 0 : index
    %get3A_2 = vector.load %arg2[%get3A, %get3A_0, %get3A_1] : memref<1x128x512xf32, #tpu.memory_space<vmem>>, vector<1x128x512xf32>
    %get3A_3 = vector.shape_cast %get3A_2 : vector<1x128x512xf32> to vector<128x512xf32>
    %get3A_4 = arith.constant 0 : index
    %get3A_5 = arith.constant 0 : index
    %get3A_6 = vector.load %arg3[%get3A_4, %get3A_5] : memref<128x128xf32, #tpu.memory_space<vmem>>, vector<128x128xf32>
    %dot_general3A = arith.constant dense<0.000000e+00> : vector<128x512xf32>
    %dot_general3A_7 = tpu.matmul %get3A_6, %get3A_3, %dot_general3A {dimension_numbers = #tpu.dot_dimension_numbers<[1], [0], [0], [1], [0, 0, 1, 1], [], []>, transpose_lhs_hint = false} : vector<128x128xf32>, vector<128x512xf32>, vector<128x512xf32> -> vector<128x512xf32>
    %get3A_8 = arith.constant 0 : index
    %get3A_9 = arith.constant 0 : index
    %get3A_10 = vector.load %arg4[%get3A_8, %get3A_9] : memref<128x1xf32, #tpu.memory_space<vmem>>, vector<128x1xf32>
    %add3A = vector.broadcast %get3A_10 : vector<128x1xf32> to vector<128x512xf32>
    %add3A_11 = arith.addf %dot_general3A_7, %add3A : vector<128x512xf32>
    %max3A = arith.constant 0.000000e+00 : f32
    %max3A_12 = vector.broadcast %max3A : f32 to vector<128x512xf32>
    %max3A_13 = arith.maximumf %add3A_11, %max3A_12 : vector<128x512xf32>
    %get3A_14 = arith.constant 0 : index
    %get3A_15 = arith.constant 0 : index
    %get3A_16 = vector.load %arg5[%get3A_14, %get3A_15] : memref<48x128xf32, #tpu.memory_space<vmem>>, vector<48x128xf32>
    %dot_general3A_17 = arith.constant dense<0.000000e+00> : vector<48x512xf32>
    %dot_general3A_18 = tpu.matmul %get3A_16, %max3A_13, %dot_general3A_17 {dimension_numbers = #tpu.dot_dimension_numbers<[1], [0], [0], [1], [0, 0, 1, 1], [], []>, transpose_lhs_hint = false} : vector<48x128xf32>, vector<128x512xf32>, vector<48x512xf32> -> vector<48x512xf32>
    %get3A_19 = arith.constant 0 : index
    %get3A_20 = arith.constant 0 : index
    %get3A_21 = vector.load %arg6[%get3A_19, %get3A_20] : memref<48x1xf32, #tpu.memory_space<vmem>>, vector<48x1xf32>
    %add3A_22 = vector.broadcast %get3A_21 : vector<48x1xf32> to vector<48x512xf32>
    %add3A_23 = arith.addf %dot_general3A_18, %add3A_22 : vector<48x512xf32>
    %max3A_24 = arith.constant 0.000000e+00 : f32
    %max3A_25 = vector.broadcast %max3A_24 : f32 to vector<48x512xf32>
    %max3A_26 = arith.maximumf %add3A_23, %max3A_25 : vector<48x512xf32>
    %swap3A = arith.constant 0 : index
    %swap3A_27 = arith.constant 0 : index
    %swap3A_28 = arith.constant 0 : index
    %swap3A_29 = vector.load %arg7[%swap3A, %swap3A_27, %swap3A_28] : memref<1x48x512xf32, #tpu.memory_space<vmem>>, vector<1x48x512xf32>
    %swap3A_30 = vector.shape_cast %swap3A_29 : vector<1x48x512xf32> to vector<48x512xf32>
    %swap3A_31 = vector.shape_cast %max3A_26 : vector<48x512xf32> to vector<1x48x512xf32>
    tpu.vector_store %arg7[%swap3A, %swap3A_27, %swap3A_28], %swap3A_31 {strides = array<i32>} : memref<1x48x512xf32, #tpu.memory_space<vmem>>, vector<1x48x512xf32>,
    %transpose3A = tpu.transpose %max3A_26, [1, 0] : vector<48x512xf32> -> vector<512x48xf32>
    %swap3A_32 = arith.constant 0 : index
    %swap3A_33 = arith.constant 0 : index
    %swap3A_34 = arith.constant 0 : index
    %swap3A_35 = vector.load %arg8[%swap3A_32, %swap3A_33, %swap3A_34] : memref<1x512x128xf32, #tpu.memory_space<vmem>>, vector<1x512x48xf32>
    %swap3A_36 = vector.shape_cast %swap3A_35 : vector<1x512x48xf32> to vector<512x48xf32>
    %swap3A_37 = vector.shape_cast %transpose3A : vector<512x48xf32> to vector<1x512x48xf32>
    tpu.vector_store %arg8[%swap3A_32, %swap3A_33, %swap3A_34], %swap3A_37 {strides = array<i32>} : memref<1x512x128xf32, #tpu.memory_space<vmem>>, vector<1x512x48xf32>,
    %broadcast_in_dim3A = arith.constant 0.000000e+00 : f32
    %broadcast_in_dim3A_38 = vector.broadcast %broadcast_in_dim3A : f32 to vector<512x80xf32>
    %swap3A_39 = arith.constant 0 : index
    %swap3A_40 = arith.constant 0 : index
    %swap3A_41 = arith.constant 48 : index
    %swap3A_42 = vector.load %arg8[%swap3A_39, %swap3A_40, %swap3A_41] : memref<1x512x128xf32, #tpu.memory_space<vmem>>, vector<1x512x80xf32>
    %swap3A_43 = vector.shape_cast %swap3A_42 : vector<1x512x80xf32> to vector<512x80xf32>
    %swap3A_44 = vector.shape_cast %broadcast_in_dim3A_38 : vector<512x80xf32> to vector<1x512x80xf32>
    tpu.vector_store %arg8[%swap3A_39, %swap3A_40, %swap3A_41], %swap3A_44 {strides = array<i32>} : memref<1x512x128xf32, #tpu.memory_space<vmem>>, vector<1x512x80xf32>,
    return
  }
  func.func @transform_0(%arg0: i32, %arg1: i32) -> (i32, i32, i32) {
    %c0_i32 = arith.constant 0 : i32
    %c0_i32_0 = arith.constant 0 : i32
    return %arg0, %c0_i32, %arg1 : i32, i32, i32
  }
  func.func @transform_1(%arg0: i32, %arg1: i32) -> (i32, i32) {
    %c0_i32 = arith.constant 0 : i32
    %c0_i32_0 = arith.constant 0 : i32
    %c0_i32_1 = arith.constant 0 : i32
    return %c0_i32, %c0_i32_0 : i32, i32
  }
  func.func @transform_2(%arg0: i32, %arg1: i32) -> (i32, i32) {
    %c0_i32 = arith.constant 0 : i32
    %c0_i32_0 = arith.constant 0 : i32
    %c0_i32_1 = arith.constant 0 : i32
    return %c0_i32, %c0_i32_0 : i32, i32
  }
  func.func @transform_3(%arg0: i32, %arg1: i32) -> (i32, i32) {
    %c0_i32 = arith.constant 0 : i32
    %c0_i32_0 = arith.constant 0 : i32
    %c0_i32_1 = arith.constant 0 : i32
    return %c0_i32, %c0_i32_0 : i32, i32
  }
  func.func @transform_4(%arg0: i32, %arg1: i32) -> (i32, i32) {
    %c0_i32 = arith.constant 0 : i32
    %c0_i32_0 = arith.constant 0 : i32
    %c0_i32_1 = arith.constant 0 : i32
    return %c0_i32, %c0_i32_0 : i32, i32
  }
  func.func @transform_5(%arg0: i32, %arg1: i32) -> (i32, i32, i32) {
    %c0_i32 = arith.constant 0 : i32
    %c0_i32_0 = arith.constant 0 : i32
    return %arg0, %c0_i32, %arg1 : i32, i32, i32
  }
  func.func @transform_6(%arg0: i32, %arg1: i32) -> (i32, i32, i32) {
    %c0_i32 = arith.constant 0 : i32
    %c0_i32_0 = arith.constant 0 : i32
    return %arg0, %arg1, %c0_i32 : i32, i32, i32
  }
}

module attributes {stable_mosaic.version = 14 : i64} {
  func.func @_assa_body(%arg0: i32, %arg1: i32, %arg2: memref<1x4096x3xf32, #tpu.memory_space<vmem>>, %arg3: memref<1x3x4096xf32, #tpu.memory_space<vmem>>, %arg4: memref<1x3x512xf32, #tpu.memory_space<vmem>>, %arg5: memref<1x48x4096xf32, #tpu.memory_space<vmem>>, %arg6: memref<1x512x128xf32, #tpu.memory_space<vmem>>, %arg7: memref<256x144xf32, #tpu.memory_space<vmem>>, %arg8: memref<256x1xf32, #tpu.memory_space<vmem>>, %arg9: memref<256x48xf32, #tpu.memory_space<vmem>>, %arg10: memref<1x256x512xf32, #tpu.memory_space<vmem>>, %arg11: memref<4096x512xf32, #tpu.memory_space<vmem>>) attributes {dimension_semantics = [#tpu.dimension_semantics<parallel>, #tpu.dimension_semantics<parallel>], iteration_bounds = array<i64: 8, 2>, scalar_prefetch = 0 : i64, scratch_operands = 1 : i64, tpu.core_type = #tpu.core_type<tc>, window_params = [{transform_indices = @transform_0, window_bounds = array<i64: 1, 4096, 3>}, {transform_indices = @transform_1, window_bounds = array<i64: 1, 3, 4096>}, {transform_indices = @transform_2, window_bounds = array<i64: 1, 3, 512>}, {transform_indices = @transform_3, window_bounds = array<i64: 1, 48, 4096>}, {transform_indices = @transform_4, window_bounds = array<i64: 1, 512, 128>}, {pipeline_mode = #tpu.pipeline_mode<synchronous>, transform_indices = @transform_5, window_bounds = array<i64: 256, 144>}, {pipeline_mode = #tpu.pipeline_mode<synchronous>, transform_indices = @transform_6, window_bounds = array<i64: 256, 1>}, {pipeline_mode = #tpu.pipeline_mode<synchronous>, transform_indices = @transform_7, window_bounds = array<i64: 256, 48>}, {transform_indices = @transform_8, window_bounds = array<i64: 1, 256, 512>}]} {
    %get3A = arith.constant 0 : index
    %get3A_0 = arith.constant 0 : index
    %get3A_1 = arith.constant 0 : index
    %get3A_2 = vector.load %arg2[%get3A, %get3A_0, %get3A_1] : memref<1x4096x3xf32, #tpu.memory_space<vmem>>, vector<1x4096x3xf32>
    %get3A_3 = vector.shape_cast %get3A_2 : vector<1x4096x3xf32> to vector<4096x3xf32>
    %get3A_4 = arith.constant 0 : index
    %get3A_5 = arith.constant 0 : index
    %get3A_6 = arith.constant 0 : index
    %get3A_7 = vector.load %arg4[%get3A_4, %get3A_5, %get3A_6] : memref<1x3x512xf32, #tpu.memory_space<vmem>>, vector<1x3x512xf32>
    %get3A_8 = vector.shape_cast %get3A_7 : vector<1x3x512xf32> to vector<3x512xf32>
    %mul3A = arith.mulf %get3A_3, %get3A_3 : vector<4096x3xf32>
    %reduce_sum3A = arith.constant dense<0.000000e+00> : vector<4096xf32>
    %reduce_sum3A_9 = vector.multi_reduction <add>, %mul3A, %reduce_sum3A [1] : vector<4096x3xf32> to vector<4096xf32>
    %broadcast_in_dim3A = vector.shape_cast %reduce_sum3A_9 : vector<4096xf32> to vector<4096x1xf32>
    %mul3A_10 = arith.mulf %get3A_8, %get3A_8 : vector<3x512xf32>
    %reduce_sum3A_11 = arith.constant dense<0.000000e+00> : vector<512xf32>
    %reduce_sum3A_12 = vector.multi_reduction <add>, %mul3A_10, %reduce_sum3A_11 [0] : vector<3x512xf32> to vector<512xf32>
    %broadcast_in_dim3A_13 = vector.shape_cast %reduce_sum3A_12 : vector<512xf32> to vector<1x512xf32>
    %add3A = vector.broadcast %broadcast_in_dim3A : vector<4096x1xf32> to vector<4096x512xf32>
    %add3A_14 = vector.broadcast %broadcast_in_dim3A_13 : vector<1x512xf32> to vector<4096x512xf32>
    %add3A_15 = arith.addf %add3A, %add3A_14 : vector<4096x512xf32>
    %dot_general3A = arith.constant dense<0.000000e+00> : vector<4096x512xf32>
    %dot_general3A_16 = tpu.matmul %get3A_3, %get3A_8, %dot_general3A {dimension_numbers = #tpu.dot_dimension_numbers<[1], [0], [0], [1], [0, 0, 1, 1], [], []>, transpose_lhs_hint = false} : vector<4096x3xf32>, vector<3x512xf32>, vector<4096x512xf32> -> vector<4096x512xf32>
    %mul3A_17 = arith.constant 2.000000e+00 : f32
    %mul3A_18 = vector.broadcast %mul3A_17 : f32 to vector<4096x512xf32>
    %mul3A_19 = arith.mulf %mul3A_18, %dot_general3A_16 : vector<4096x512xf32>
    %sub3A = arith.subf %add3A_15, %mul3A_19 : vector<4096x512xf32>
    %swap3A = arith.constant 0 : index
    %swap3A_20 = arith.constant 0 : index
    %swap3A_21 = vector.load %arg11[%swap3A, %swap3A_20] : memref<4096x512xf32, #tpu.memory_space<vmem>>, vector<4096x512xf32>
    tpu.vector_store %arg11[%swap3A, %swap3A_20], %sub3A {strides = array<i32>} : memref<4096x512xf32, #tpu.memory_space<vmem>>, vector<4096x512xf32>,
    %broadcast_in_dim3A_22 = arith.constant 0x7F800000 : f32
    %broadcast_in_dim3A_23 = vector.broadcast %broadcast_in_dim3A_22 : f32 to vector<1x512xf32>
    %broadcast_in_dim3A_24 = arith.constant 0xFF800000 : f32
    %broadcast_in_dim3A_25 = vector.broadcast %broadcast_in_dim3A_24 : f32 to vector<1x512xf32>
    %broadcast_in_dim3A_26 = arith.constant 0.000000e+00 : f32
    %broadcast_in_dim3A_27 = vector.broadcast %broadcast_in_dim3A_26 : f32 to vector<1x512xf32>
    %scan3A = arith.constant 0 : i32
    %scan3A_28 = arith.constant 32 : i32
    %scan3A_29 = arith.addi %scan3A, %scan3A_28 : i32
    %scan3A_30 = arith.constant 1 : i32
    %scan3A_31:3 = scf.for %scan3A_153 = %scan3A to %scan3A_29 step %scan3A_30 iter_args(%scan3A_154 = %broadcast_in_dim3A_23, %scan3A_155 = %broadcast_in_dim3A_25, %scan3A_156 = %broadcast_in_dim3A_27) -> (vector<1x512xf32>, vector<1x512xf32>, vector<1x512xf32>)  : i32 {
      %mul3A_157 = arith.constant 128 : i32
      %mul3A_158 = arith.muli %scan3A_153, %mul3A_157 : i32
      %multiple_of3A = tpu.assume_multiple %mul3A_158, 128 : i32
      %get3A_159 = arith.index_cast %multiple_of3A : i32 to index
      %get3A_160 = arith.constant 0 : index
      %get3A_161 = vector.load %arg11[%get3A_159, %get3A_160] : memref<4096x512xf32, #tpu.memory_space<vmem>>, vector<128x512xf32>
      %reduce_min3A = arith.constant dense<0x7F800000> : vector<512xf32>
      %reduce_min3A_162 = vector.multi_reduction <minimumf>, %get3A_161, %reduce_min3A [0] : vector<128x512xf32> to vector<512xf32>
      %broadcast_in_dim3A_163 = vector.shape_cast %reduce_min3A_162 : vector<512xf32> to vector<1x512xf32>
      %min3A = arith.minimumf %scan3A_154, %broadcast_in_dim3A_163 : vector<1x512xf32>
      %max3A_164 = arith.maximumf %scan3A_155, %broadcast_in_dim3A_163 : vector<1x512xf32>
      %add3A_165 = arith.addf %scan3A_156, %broadcast_in_dim3A_163 : vector<1x512xf32>
      scf.yield %min3A, %max3A_164, %add3A_165 : vector<1x512xf32>, vector<1x512xf32>, vector<1x512xf32>
    }
    %scan3A_32 = arith.constant 32 : i32
    %mul3A_33 = arith.constant 3.125000e-02 : f32
    %mul3A_34 = vector.broadcast %mul3A_33 : f32 to vector<1x512xf32>
    %mul3A_35 = arith.mulf %scan3A_31#2, %mul3A_34 : vector<1x512xf32>
    %bitcast_convert_type3A = tpu.bitcast %scan3A_31#0 : vector<1x512xf32> -> vector<1x512xi32>
    %ge3A = arith.constant 0 : i32
    %ge3A_36 = vector.broadcast %ge3A : i32 to vector<1x512xi32>
    %ge3A_37 = arith.cmpi sge, %bitcast_convert_type3A, %ge3A_36 : vector<1x512xi32>
    %xor3A = arith.constant 2147483647 : i32
    %xor3A_38 = vector.broadcast %xor3A : i32 to vector<1x512xi32>
    %xor3A_39 = arith.xori %bitcast_convert_type3A, %xor3A_38 : vector<1x512xi32>
    %select_n3A = arith.select %ge3A_37, %bitcast_convert_type3A, %xor3A_39 : vector<1x512xi1>, vector<1x512xi32>
    %sub3A_40 = arith.constant 1 : i32
    %sub3A_41 = vector.broadcast %sub3A_40 : i32 to vector<1x512xi32>
    %sub3A_42 = arith.subi %select_n3A, %sub3A_41 : vector<1x512xi32>
    %bitcast_convert_type3A_43 = tpu.bitcast %scan3A_31#1 : vector<1x512xf32> -> vector<1x512xi32>
    %ge3A_44 = arith.constant 0 : i32
    %ge3A_45 = vector.broadcast %ge3A_44 : i32 to vector<1x512xi32>
    %ge3A_46 = arith.cmpi sge, %bitcast_convert_type3A_43, %ge3A_45 : vector<1x512xi32>
    %xor3A_47 = arith.constant 2147483647 : i32
    %xor3A_48 = vector.broadcast %xor3A_47 : i32 to vector<1x512xi32>
    %xor3A_49 = arith.xori %bitcast_convert_type3A_43, %xor3A_48 : vector<1x512xi32>
    %select_n3A_50 = arith.select %ge3A_46, %bitcast_convert_type3A_43, %xor3A_49 : vector<1x512xi1>, vector<1x512xi32>
    %broadcast_in_dim3A_51 = arith.constant 0.000000e+00 : f32
    %broadcast_in_dim3A_52 = vector.broadcast %broadcast_in_dim3A_51 : f32 to vector<1x512xf32>
    %broadcast_in_dim3A_53 = arith.constant 9.600000e+01 : f32
    %broadcast_in_dim3A_54 = vector.broadcast %broadcast_in_dim3A_53 : f32 to vector<1x512xf32>
    %ge3A_55 = arith.constant 0 : i32
    %ge3A_56 = vector.broadcast %ge3A_55 : i32 to vector<1x512xi32>
    %ge3A_57 = arith.cmpi sge, %select_n3A_50, %ge3A_56 : vector<1x512xi32>
    %xor3A_58 = arith.constant 2147483647 : i32
    %xor3A_59 = vector.broadcast %xor3A_58 : i32 to vector<1x512xi32>
    %xor3A_60 = arith.xori %select_n3A_50, %xor3A_59 : vector<1x512xi32>
    %select_n3A_61 = arith.select %ge3A_57, %select_n3A_50, %xor3A_60 : vector<1x512xi1>, vector<1x512xi32>
    %bitcast_convert_type3A_62 = tpu.bitcast %select_n3A_61 : vector<1x512xi32> -> vector<1x512xf32>
    %broadcast_in_dim3A_63 = arith.constant 0.000000e+00 : f32
    %broadcast_in_dim3A_64 = vector.broadcast %broadcast_in_dim3A_63 : f32 to vector<1x512xf32>
    %while3A = arith.constant 0 : i32
    %while3A_65:7 = scf.while (%while3A_153 = %sub3A_42, %while3A_154 = %select_n3A_50, %while3A_155 = %broadcast_in_dim3A_52, %while3A_156 = %broadcast_in_dim3A_54, %while3A_157 = %bitcast_convert_type3A_62, %while3A_158 = %broadcast_in_dim3A_64, %while3A_159 = %while3A) : (vector<1x512xi32>, vector<1x512xi32>, vector<1x512xf32>, vector<1x512xf32>, vector<1x512xf32>, vector<1x512xf32>, i32) -> (vector<1x512xi32>, vector<1x512xi32>, vector<1x512xf32>, vector<1x512xf32>, vector<1x512xf32>, vector<1x512xf32>, i32) {
      %lt3A = arith.constant 5.000000e-01 : f32
      %lt3A_160 = vector.broadcast %lt3A : f32 to vector<1x512xf32>
      %lt3A_161 = arith.cmpf olt, %while3A_158, %lt3A_160 : vector<1x512xf32>
      %reduce_or3A = arith.constant 1.000000e+00 : f32
      %reduce_or3A_162 = arith.constant 0.000000e+00 : f32
      %reduce_or3A_163 = vector.broadcast %reduce_or3A : f32 to vector<1x512xf32>
      %reduce_or3A_164 = vector.broadcast %reduce_or3A_162 : f32 to vector<1x512xf32>
      %reduce_or3A_165 = arith.select %lt3A_161, %reduce_or3A_163, %reduce_or3A_164 : vector<1x512xi1>, vector<1x512xf32>
      %reduce_or3A_166 = vector.shape_cast %reduce_or3A_165 : vector<1x512xf32> to vector<1x1x512xf32>
      %reduce_or3A_167 = arith.constant dense<0xFF800000> : vector<1xf32>
      %reduce_or3A_168 = vector.multi_reduction <maximumf>, %reduce_or3A_166, %reduce_or3A_167 [1, 2] : vector<1x1x512xf32> to vector<1xf32>
      %reduce_or3A_169 = vector.shape_cast %reduce_or3A_168 : vector<1xf32> to vector<1x1x1xf32>
      %reduce_or3A_170 = vector.extract %reduce_or3A_169[0, 0, 0] : f32 from vector<1x1x1xf32>
      %reduce_or3A_171 = arith.constant 0.000000e+00 : f32
      %reduce_or3A_172 = arith.cmpf ogt, %reduce_or3A_170, %reduce_or3A_171 : f32
      %lt3A_173 = arith.constant 64 : i32
      %lt3A_174 = arith.cmpi slt, %while3A_159, %lt3A_173 : i32
      %and3A = arith.andi %reduce_or3A_172, %lt3A_174 : i1
      scf.condition(%and3A) %while3A_153, %while3A_154, %while3A_155, %while3A_156, %while3A_157, %while3A_158, %while3A_159 : vector<1x512xi32>, vector<1x512xi32>, vector<1x512xf32>, vector<1x512xf32>, vector<1x512xf32>, vector<1x512xf32>, i32
    } do {
    ^bb0(%while3A_153: vector<1x512xi32>, %while3A_154: vector<1x512xi32>, %while3A_155: vector<1x512xf32>, %while3A_156: vector<1x512xf32>, %while3A_157: vector<1x512xf32>, %while3A_158: vector<1x512xf32>, %while3A_159: i32):
      %ge3A_160 = arith.constant 0 : i32
      %ge3A_161 = vector.broadcast %ge3A_160 : i32 to vector<1x512xi32>
      %ge3A_162 = arith.cmpi sge, %while3A_153, %ge3A_161 : vector<1x512xi32>
      %xor3A_163 = arith.constant 2147483647 : i32
      %xor3A_164 = vector.broadcast %xor3A_163 : i32 to vector<1x512xi32>
      %xor3A_165 = arith.xori %while3A_153, %xor3A_164 : vector<1x512xi32>
      %select_n3A_166 = arith.select %ge3A_162, %while3A_153, %xor3A_165 : vector<1x512xi1>, vector<1x512xi32>
      %bitcast_convert_type3A_167 = tpu.bitcast %select_n3A_166 : vector<1x512xi32> -> vector<1x512xf32>
      %ge3A_168 = arith.constant 0 : i32
      %ge3A_169 = vector.broadcast %ge3A_168 : i32 to vector<1x512xi32>
      %ge3A_170 = arith.cmpi sge, %while3A_154, %ge3A_169 : vector<1x512xi32>
      %xor3A_171 = arith.constant 2147483647 : i32
      %xor3A_172 = vector.broadcast %xor3A_171 : i32 to vector<1x512xi32>
      %xor3A_173 = arith.xori %while3A_154, %xor3A_172 : vector<1x512xi32>
      %select_n3A_174 = arith.select %ge3A_170, %while3A_154, %xor3A_173 : vector<1x512xi1>, vector<1x512xi32>
      %bitcast_convert_type3A_175 = tpu.bitcast %select_n3A_174 : vector<1x512xi32> -> vector<1x512xf32>
      %sub3A_176 = arith.subf %while3A_156, %while3A_155 : vector<1x512xf32>
      %max3A_177 = arith.constant 1.000000e+00 : f32
      %max3A_178 = vector.broadcast %max3A_177 : f32 to vector<1x512xf32>
      %max3A_179 = arith.maximumf %sub3A_176, %max3A_178 : vector<1x512xf32>
      %sub3A_180 = arith.subf %bitcast_convert_type3A_175, %bitcast_convert_type3A_167 : vector<1x512xf32>
      %sub3A_181 = arith.constant 3.250000e+01 : f32
      %sub3A_182 = vector.broadcast %sub3A_181 : f32 to vector<1x512xf32>
      %sub3A_183 = arith.subf %sub3A_182, %while3A_155 : vector<1x512xf32>
      %mul3A_184 = arith.mulf %sub3A_180, %sub3A_183 : vector<1x512xf32>
      %div3A = arith.divf %mul3A_184, %max3A_179 : vector<1x512xf32>
      %add3A_185 = arith.addf %bitcast_convert_type3A_167, %div3A : vector<1x512xf32>
      %eq3A = arith.constant 0 : i32
      %eq3A_186 = arith.cmpi eq, %while3A_159, %eq3A : i32
      %bitcast_convert_type3A_187 = tpu.bitcast %mul3A_35 : vector<1x512xf32> -> vector<1x512xi32>
      %ge3A_188 = arith.constant 0 : i32
      %ge3A_189 = vector.broadcast %ge3A_188 : i32 to vector<1x512xi32>
      %ge3A_190 = arith.cmpi sge, %bitcast_convert_type3A_187, %ge3A_189 : vector<1x512xi32>
      %xor3A_191 = arith.constant 2147483647 : i32
      %xor3A_192 = vector.broadcast %xor3A_191 : i32 to vector<1x512xi32>
      %xor3A_193 = arith.xori %bitcast_convert_type3A_187, %xor3A_192 : vector<1x512xi32>
      %select_n3A_194 = arith.select %ge3A_190, %bitcast_convert_type3A_187, %xor3A_193 : vector<1x512xi1>, vector<1x512xi32>
      %bitcast_convert_type3A_195 = tpu.bitcast %add3A_185 : vector<1x512xf32> -> vector<1x512xi32>
      %ge3A_196 = arith.constant 0 : i32
      %ge3A_197 = vector.broadcast %ge3A_196 : i32 to vector<1x512xi32>
      %ge3A_198 = arith.cmpi sge, %bitcast_convert_type3A_195, %ge3A_197 : vector<1x512xi32>
      %xor3A_199 = arith.constant 2147483647 : i32
      %xor3A_200 = vector.broadcast %xor3A_199 : i32 to vector<1x512xi32>
      %xor3A_201 = arith.xori %bitcast_convert_type3A_195, %xor3A_200 : vector<1x512xi32>
      %select_n3A_202 = arith.select %ge3A_198, %bitcast_convert_type3A_195, %xor3A_201 : vector<1x512xi1>, vector<1x512xi32>
      %select_n3A_203 = arith.select %eq3A_186, %select_n3A_194, %select_n3A_202 : vector<1x512xi32>
      %sub3A_204 = arith.subi %while3A_154, %while3A_153 : vector<1x512xi32>
      %shift_right_logical3A = arith.constant 1 : i32
      %shift_right_logical3A_205 = vector.broadcast %shift_right_logical3A : i32 to vector<1x512xi32>
      %shift_right_logical3A_206 = arith.shrui %sub3A_204, %shift_right_logical3A_205 : vector<1x512xi32>
      %add3A_207 = arith.addi %while3A_153, %shift_right_logical3A_206 : vector<1x512xi32>
      %add3A_208 = arith.constant 1 : i32
      %add3A_209 = vector.broadcast %add3A_208 : i32 to vector<1x512xi32>
      %add3A_210 = arith.addi %while3A_153, %add3A_209 : vector<1x512xi32>
      %add3A_211 = arith.constant 1 : i32
      %add3A_212 = vector.broadcast %add3A_211 : i32 to vector<1x512xi32>
      %add3A_213 = arith.addi %while3A_153, %add3A_212 : vector<1x512xi32>
      %sub3A_214 = arith.constant 1 : i32
      %sub3A_215 = vector.broadcast %sub3A_214 : i32 to vector<1x512xi32>
      %sub3A_216 = arith.subi %while3A_154, %sub3A_215 : vector<1x512xi32>
      %max3A_217 = arith.maxsi %add3A_213, %sub3A_216 : vector<1x512xi32>
      %max3A_218 = arith.maxsi %add3A_210, %select_n3A_203 : vector<1x512xi32>
      %min3A = arith.minsi %max3A_217, %max3A_218 : vector<1x512xi32>
      %add3A_219 = arith.constant 1 : i32
      %add3A_220 = vector.broadcast %add3A_219 : i32 to vector<1x512xi32>
      %add3A_221 = arith.addi %while3A_153, %add3A_220 : vector<1x512xi32>
      %add3A_222 = arith.constant 1 : i32
      %add3A_223 = vector.broadcast %add3A_222 : i32 to vector<1x512xi32>
      %add3A_224 = arith.addi %while3A_153, %add3A_223 : vector<1x512xi32>
      %sub3A_225 = arith.constant 1 : i32
      %sub3A_226 = vector.broadcast %sub3A_225 : i32 to vector<1x512xi32>
      %sub3A_227 = arith.subi %while3A_154, %sub3A_226 : vector<1x512xi32>
      %max3A_228 = arith.maxsi %add3A_224, %sub3A_227 : vector<1x512xi32>
      %max3A_229 = arith.maxsi %add3A_221, %add3A_207 : vector<1x512xi32>
      %min3A_230 = arith.minsi %max3A_228, %max3A_229 : vector<1x512xi32>
      %min3A_231 = arith.minsi %min3A, %min3A_230 : vector<1x512xi32>
      %max3A_232 = arith.maxsi %min3A, %min3A_230 : vector<1x512xi32>
      %ge3A_233 = arith.constant 0 : i32
      %ge3A_234 = vector.broadcast %ge3A_233 : i32 to vector<1x512xi32>
      %ge3A_235 = arith.cmpi sge, %min3A_231, %ge3A_234 : vector<1x512xi32>
      %xor3A_236 = arith.constant 2147483647 : i32
      %xor3A_237 = vector.broadcast %xor3A_236 : i32 to vector<1x512xi32>
      %xor3A_238 = arith.xori %min3A_231, %xor3A_237 : vector<1x512xi32>
      %select_n3A_239 = arith.select %ge3A_235, %min3A_231, %xor3A_238 : vector<1x512xi1>, vector<1x512xi32>
      %bitcast_convert_type3A_240 = tpu.bitcast %select_n3A_239 : vector<1x512xi32> -> vector<1x512xf32>
      %ge3A_241 = arith.constant 0 : i32
      %ge3A_242 = vector.broadcast %ge3A_241 : i32 to vector<1x512xi32>
      %ge3A_243 = arith.cmpi sge, %max3A_232, %ge3A_242 : vector<1x512xi32>
      %xor3A_244 = arith.constant 2147483647 : i32
      %xor3A_245 = vector.broadcast %xor3A_244 : i32 to vector<1x512xi32>
      %xor3A_246 = arith.xori %max3A_232, %xor3A_245 : vector<1x512xi32>
      %select_n3A_247 = arith.select %ge3A_243, %max3A_232, %xor3A_246 : vector<1x512xi1>, vector<1x512xi32>
      %bitcast_convert_type3A_248 = tpu.bitcast %select_n3A_247 : vector<1x512xi32> -> vector<1x512xf32>
      %get3A_249 = arith.constant 0 : index
      %get3A_250 = arith.constant 0 : index
      %get3A_251 = vector.load %arg11[%get3A_249, %get3A_250] : memref<4096x512xf32, #tpu.memory_space<vmem>>, vector<4096x512xf32>
      %le3A_252 = vector.broadcast %bitcast_convert_type3A_240 : vector<1x512xf32> to vector<4096x512xf32>
      %le3A_253 = arith.cmpf ole, %get3A_251, %le3A_252 : vector<4096x512xf32>
      %jit3A = arith.constant 1.000000e+00 : f32
      %jit3A_254 = arith.constant 0.000000e+00 : f32
      %broadcast_in_dim3A_255 = vector.broadcast %jit3A : f32 to vector<4096x512xf32>
      %broadcast_in_dim3A_256 = vector.broadcast %jit3A_254 : f32 to vector<4096x512xf32>
      %select_n3A_257 = arith.select %le3A_253, %broadcast_in_dim3A_255, %broadcast_in_dim3A_256 : vector<4096x512xi1>, vector<4096x512xf32>
      %reduce_sum3A_258 = arith.constant dense<0.000000e+00> : vector<512xf32>
      %reduce_sum3A_259 = vector.multi_reduction <add>, %select_n3A_257, %reduce_sum3A_258 [0] : vector<4096x512xf32> to vector<512xf32>
      %broadcast_in_dim3A_260 = vector.shape_cast %reduce_sum3A_259 : vector<512xf32> to vector<1x512xf32>
      %le3A_261 = vector.broadcast %bitcast_convert_type3A_248 : vector<1x512xf32> to vector<4096x512xf32>
      %le3A_262 = arith.cmpf ole, %get3A_251, %le3A_261 : vector<4096x512xf32>
      %jit3A_263 = arith.constant 1.000000e+00 : f32
      %jit3A_264 = arith.constant 0.000000e+00 : f32
      %broadcast_in_dim3A_265 = vector.broadcast %jit3A_263 : f32 to vector<4096x512xf32>
      %broadcast_in_dim3A_266 = vector.broadcast %jit3A_264 : f32 to vector<4096x512xf32>
      %select_n3A_267 = arith.select %le3A_262, %broadcast_in_dim3A_265, %broadcast_in_dim3A_266 : vector<4096x512xi1>, vector<4096x512xf32>
      %reduce_sum3A_268 = arith.constant dense<0.000000e+00> : vector<512xf32>
      %reduce_sum3A_269 = vector.multi_reduction <add>, %select_n3A_267, %reduce_sum3A_268 [0] : vector<4096x512xf32> to vector<512xf32>
      %broadcast_in_dim3A_270 = vector.shape_cast %reduce_sum3A_269 : vector<512xf32> to vector<1x512xf32>
      %lt3A = arith.constant 5.000000e-01 : f32
      %lt3A_271 = vector.broadcast %lt3A : f32 to vector<1x512xf32>
      %lt3A_272 = arith.cmpf olt, %while3A_158, %lt3A_271 : vector<1x512xf32>
      %eq3A_273 = arith.constant 3.200000e+01 : f32
      %eq3A_274 = vector.broadcast %eq3A_273 : f32 to vector<1x512xf32>
      %eq3A_275 = arith.cmpf oeq, %broadcast_in_dim3A_260, %eq3A_274 : vector<1x512xf32>
      %eq3A_276 = arith.constant 3.200000e+01 : f32
      %eq3A_277 = vector.broadcast %eq3A_276 : f32 to vector<1x512xf32>
      %eq3A_278 = arith.cmpf oeq, %broadcast_in_dim3A_270, %eq3A_277 : vector<1x512xf32>
      %not3A = arith.constant dense<true> : vector<1x512xi1>
      %not3A_279 = arith.xori %eq3A_275, %not3A : vector<1x512xi1>
      %and3A = arith.andi %eq3A_278, %not3A_279 : vector<1x512xi1>
      %or3A = arith.ori %eq3A_275, %and3A : vector<1x512xi1>
      %and3A_280 = arith.andi %or3A, %lt3A_272 : vector<1x512xi1>
      %sub3A_281 = arith.subi %while3A_154, %while3A_153 : vector<1x512xi32>
      %le3A_282 = arith.constant 1 : i32
      %le3A_283 = vector.broadcast %le3A_282 : i32 to vector<1x512xi32>
      %le3A_284 = arith.cmpi sle, %sub3A_281, %le3A_283 : vector<1x512xi32>
      %not3A_285 = arith.constant dense<true> : vector<1x512xi1>
      %not3A_286 = arith.xori %and3A_280, %not3A_285 : vector<1x512xi1>
      %and3A_287 = arith.andi %lt3A_272, %not3A_286 : vector<1x512xi1>
      %and3A_288 = arith.andi %le3A_284, %and3A_287 : vector<1x512xi1>
      %and3A_289 = arith.andi %lt3A_272, %eq3A_275 : vector<1x512xi1>
      %and3A_290 = arith.andi %lt3A_272, %and3A : vector<1x512xi1>
      %select_n3A_291 = arith.select %and3A_288, %bitcast_convert_type3A_175, %while3A_157 : vector<1x512xi1>, vector<1x512xf32>
      %select_n3A_292 = arith.select %and3A_290, %bitcast_convert_type3A_248, %select_n3A_291 : vector<1x512xi1>, vector<1x512xf32>
      %select_n3A_293 = arith.select %and3A_289, %bitcast_convert_type3A_240, %select_n3A_292 : vector<1x512xi1>, vector<1x512xf32>
      %or3A_294 = arith.ori %and3A_280, %and3A_288 : vector<1x512xi1>
      %jit3A_295 = arith.constant 1.000000e+00 : f32
      %jit3A_296 = arith.constant 0.000000e+00 : f32
      %broadcast_in_dim3A_297 = vector.broadcast %jit3A_295 : f32 to vector<1x512xf32>
      %broadcast_in_dim3A_298 = vector.broadcast %jit3A_296 : f32 to vector<1x512xf32>
      %select_n3A_299 = arith.select %or3A_294, %broadcast_in_dim3A_297, %broadcast_in_dim3A_298 : vector<1x512xi1>, vector<1x512xf32>
      %max3A_300 = arith.maximumf %while3A_158, %select_n3A_299 : vector<1x512xf32>
      %lt3A_301 = arith.constant 5.000000e-01 : f32
      %lt3A_302 = vector.broadcast %lt3A_301 : f32 to vector<1x512xf32>
      %lt3A_303 = arith.cmpf olt, %max3A_300, %lt3A_302 : vector<1x512xf32>
      %lt3A_304 = arith.constant 3.200000e+01 : f32
      %lt3A_305 = vector.broadcast %lt3A_304 : f32 to vector<1x512xf32>
      %lt3A_306 = arith.cmpf olt, %broadcast_in_dim3A_270, %lt3A_305 : vector<1x512xf32>
      %lt3A_307 = arith.constant 3.200000e+01 : f32
      %lt3A_308 = vector.broadcast %lt3A_307 : f32 to vector<1x512xf32>
      %lt3A_309 = arith.cmpf olt, %broadcast_in_dim3A_260, %lt3A_308 : vector<1x512xf32>
      %and3A_310 = arith.andi %lt3A_303, %lt3A_306 : vector<1x512xi1>
      %and3A_311 = arith.andi %lt3A_303, %lt3A_309 : vector<1x512xi1>
      %select_n3A_312 = arith.select %and3A_311, %min3A_231, %while3A_153 : vector<1x512xi1>, vector<1x512xi32>
      %select_n3A_313 = arith.select %and3A_310, %max3A_232, %select_n3A_312 : vector<1x512xi1>, vector<1x512xi32>
      %and3A_314 = arith.andi %lt3A_303, %lt3A_306 : vector<1x512xi1>
      %and3A_315 = arith.andi %lt3A_303, %lt3A_309 : vector<1x512xi1>
      %select_n3A_316 = arith.select %and3A_315, %broadcast_in_dim3A_260, %while3A_155 : vector<1x512xi1>, vector<1x512xf32>
      %select_n3A_317 = arith.select %and3A_314, %broadcast_in_dim3A_270, %select_n3A_316 : vector<1x512xi1>, vector<1x512xf32>
      %not3A_318 = arith.constant dense<true> : vector<1x512xi1>
      %not3A_319 = arith.xori %lt3A_309, %not3A_318 : vector<1x512xi1>
      %not3A_320 = arith.constant dense<true> : vector<1x512xi1>
      %not3A_321 = arith.xori %lt3A_306, %not3A_320 : vector<1x512xi1>
      %and3A_322 = arith.andi %lt3A_303, %not3A_319 : vector<1x512xi1>
      %and3A_323 = arith.andi %lt3A_303, %not3A_321 : vector<1x512xi1>
      %select_n3A_324 = arith.select %and3A_323, %max3A_232, %while3A_154 : vector<1x512xi1>, vector<1x512xi32>
      %select_n3A_325 = arith.select %and3A_322, %min3A_231, %select_n3A_324 : vector<1x512xi1>, vector<1x512xi32>
      %and3A_326 = arith.andi %lt3A_303, %not3A_319 : vector<1x512xi1>
      %and3A_327 = arith.andi %lt3A_303, %not3A_321 : vector<1x512xi1>
      %select_n3A_328 = arith.select %and3A_327, %broadcast_in_dim3A_270, %while3A_156 : vector<1x512xi1>, vector<1x512xf32>
      %select_n3A_329 = arith.select %and3A_326, %broadcast_in_dim3A_260, %select_n3A_328 : vector<1x512xi1>, vector<1x512xf32>
      %add3A_330 = arith.constant 1 : i32
      %add3A_331 = arith.addi %while3A_159, %add3A_330 : i32
      scf.yield %select_n3A_313, %select_n3A_325, %select_n3A_317, %select_n3A_329, %select_n3A_293, %max3A_300, %add3A_331 : vector<1x512xi32>, vector<1x512xi32>, vector<1x512xf32>, vector<1x512xf32>, vector<1x512xf32>, vector<1x512xf32>, i32
    }
    %gt3A = arith.constant 5.000000e-01 : f32
    %gt3A_66 = vector.broadcast %gt3A : f32 to vector<1x512xf32>
    %gt3A_67 = arith.cmpf ogt, %while3A_65#5, %gt3A_66 : vector<1x512xf32>
    %ge3A_68 = arith.constant 0 : i32
    %ge3A_69 = vector.broadcast %ge3A_68 : i32 to vector<1x512xi32>
    %ge3A_70 = arith.cmpi sge, %while3A_65#1, %ge3A_69 : vector<1x512xi32>
    %xor3A_71 = arith.constant 2147483647 : i32
    %xor3A_72 = vector.broadcast %xor3A_71 : i32 to vector<1x512xi32>
    %xor3A_73 = arith.xori %while3A_65#1, %xor3A_72 : vector<1x512xi32>
    %select_n3A_74 = arith.select %ge3A_70, %while3A_65#1, %xor3A_73 : vector<1x512xi1>, vector<1x512xi32>
    %bitcast_convert_type3A_75 = tpu.bitcast %select_n3A_74 : vector<1x512xi32> -> vector<1x512xf32>
    %select_n3A_76 = arith.select %gt3A_67, %while3A_65#4, %bitcast_convert_type3A_75 : vector<1x512xi1>, vector<1x512xf32>
    %get3A_77 = arith.constant 0 : index
    %get3A_78 = arith.constant 0 : index
    %get3A_79 = vector.load %arg11[%get3A_77, %get3A_78] : memref<4096x512xf32, #tpu.memory_space<vmem>>, vector<4096x512xf32>
    %le3A = vector.broadcast %select_n3A_76 : vector<1x512xf32> to vector<4096x512xf32>
    %le3A_80 = arith.cmpf ole, %get3A_79, %le3A : vector<4096x512xf32>
    %convert_element_type3A = arith.extui %le3A_80 : vector<4096x512xi1> to vector<4096x512xi32>
    %convert_element_type3A_81 = arith.sitofp %convert_element_type3A : vector<4096x512xi32> to vector<4096x512xf32>
    %convert_element_type3A_82 = arith.truncf %convert_element_type3A_81 : vector<4096x512xf32> to vector<4096x512xbf16>
    %get3A_83 = arith.constant 0 : index
    %get3A_84 = arith.constant 0 : index
    %get3A_85 = arith.constant 0 : index
    %get3A_86 = vector.load %arg5[%get3A_83, %get3A_84, %get3A_85] : memref<1x48x4096xf32, #tpu.memory_space<vmem>>, vector<1x48x4096xf32>
    %get3A_87 = vector.shape_cast %get3A_86 : vector<1x48x4096xf32> to vector<48x4096xf32>
    %get3A_88 = arith.constant 0 : index
    %get3A_89 = arith.constant 0 : index
    %get3A_90 = arith.constant 0 : index
    %get3A_91 = vector.load %arg3[%get3A_88, %get3A_89, %get3A_90] : memref<1x3x4096xf32, #tpu.memory_space<vmem>>, vector<1x3x4096xf32>
    %get3A_92 = vector.shape_cast %get3A_91 : vector<1x3x4096xf32> to vector<3x4096xf32>
    %slice3A = vector.extract_strided_slice %get3A_92 {offsets = [0, 0], sizes = [1, 4096], strides = [1, 1]} : vector<3x4096xf32> to vector<1x4096xf32>
    %mul3A_93 = vector.broadcast %slice3A : vector<1x4096xf32> to vector<48x4096xf32>
    %mul3A_94 = arith.mulf %get3A_87, %mul3A_93 : vector<48x4096xf32>
    %slice3A_95 = vector.extract_strided_slice %get3A_92 {offsets = [1, 0], sizes = [1, 4096], strides = [1, 1]} : vector<3x4096xf32> to vector<1x4096xf32>
    %mul3A_96 = vector.broadcast %slice3A_95 : vector<1x4096xf32> to vector<48x4096xf32>
    %mul3A_97 = arith.mulf %get3A_87, %mul3A_96 : vector<48x4096xf32>
    %slice3A_98 = vector.extract_strided_slice %get3A_92 {offsets = [2, 0], sizes = [1, 4096], strides = [1, 1]} : vector<3x4096xf32> to vector<1x4096xf32>
    %mul3A_99 = vector.broadcast %slice3A_98 : vector<1x4096xf32> to vector<48x4096xf32>
    %mul3A_100 = arith.mulf %get3A_87, %mul3A_99 : vector<48x4096xf32>
    %concatenate3A = tpu.concatenate %get3A_87, %mul3A_94, %mul3A_97, %mul3A_100 in 0 : vector<48x4096xf32>, vector<48x4096xf32>, vector<48x4096xf32>, vector<48x4096xf32> -> vector<192x4096xf32>
    %convert_element_type3A_101 = arith.truncf %concatenate3A : vector<192x4096xf32> to vector<192x4096xbf16>
    %dot_general3A_102 = arith.constant dense<0.000000e+00> : vector<192x512xf32>
    %dot_general3A_103 = tpu.matmul %convert_element_type3A_101, %convert_element_type3A_82, %dot_general3A_102 {dimension_numbers = #tpu.dot_dimension_numbers<[1], [0], [0], [1], [0, 0, 1, 1], [], []>, transpose_lhs_hint = false} : vector<192x4096xbf16>, vector<4096x512xbf16>, vector<192x512xf32> -> vector<192x512xf32>
    %mul3A_104 = arith.constant 3.125000e-02 : f32
    %mul3A_105 = vector.broadcast %mul3A_104 : f32 to vector<192x512xf32>
    %mul3A_106 = arith.mulf %dot_general3A_103, %mul3A_105 : vector<192x512xf32>
    %get3A_107 = arith.constant 0 : index
    %get3A_108 = arith.constant 0 : index
    %get3A_109 = arith.constant 0 : index
    %get3A_110 = vector.load %arg6[%get3A_107, %get3A_108, %get3A_109] : memref<1x512x128xf32, #tpu.memory_space<vmem>>, vector<1x512x48xf32>
    %get3A_111 = vector.shape_cast %get3A_110 : vector<1x512x48xf32> to vector<512x48xf32>
    %slice3A_112 = vector.extract_strided_slice %mul3A_106 {offsets = [0, 0], sizes = [48, 512], strides = [1, 1]} : vector<192x512xf32> to vector<48x512xf32>
    %slice3A_113 = vector.extract_strided_slice %mul3A_106 {offsets = [48, 0], sizes = [48, 512], strides = [1, 1]} : vector<192x512xf32> to vector<48x512xf32>
    %slice3A_114 = vector.extract_strided_slice %get3A_8 {offsets = [0, 0], sizes = [1, 512], strides = [1, 1]} : vector<3x512xf32> to vector<1x512xf32>
    %mul3A_115 = vector.broadcast %slice3A_114 : vector<1x512xf32> to vector<48x512xf32>
    %mul3A_116 = arith.mulf %mul3A_115, %slice3A_112 : vector<48x512xf32>
    %sub3A_117 = arith.subf %slice3A_113, %mul3A_116 : vector<48x512xf32>
    %slice3A_118 = vector.extract_strided_slice %mul3A_106 {offsets = [96, 0], sizes = [48, 512], strides = [1, 1]} : vector<192x512xf32> to vector<48x512xf32>
    %slice3A_119 = vector.extract_strided_slice %get3A_8 {offsets = [1, 0], sizes = [1, 512], strides = [1, 1]} : vector<3x512xf32> to vector<1x512xf32>
    %mul3A_120 = vector.broadcast %slice3A_119 : vector<1x512xf32> to vector<48x512xf32>
    %mul3A_121 = arith.mulf %mul3A_120, %slice3A_112 : vector<48x512xf32>
    %sub3A_122 = arith.subf %slice3A_118, %mul3A_121 : vector<48x512xf32>
    %slice3A_123 = vector.extract_strided_slice %mul3A_106 {offsets = [144, 0], sizes = [48, 512], strides = [1, 1]} : vector<192x512xf32> to vector<48x512xf32>
    %slice3A_124 = vector.extract_strided_slice %get3A_8 {offsets = [2, 0], sizes = [1, 512], strides = [1, 1]} : vector<3x512xf32> to vector<1x512xf32>
    %mul3A_125 = vector.broadcast %slice3A_124 : vector<1x512xf32> to vector<48x512xf32>
    %mul3A_126 = arith.mulf %mul3A_125, %slice3A_112 : vector<48x512xf32>
    %sub3A_127 = arith.subf %slice3A_123, %mul3A_126 : vector<48x512xf32>
    %concatenate3A_128 = tpu.concatenate %sub3A_117, %sub3A_122, %sub3A_127 in 0 : vector<48x512xf32>, vector<48x512xf32>, vector<48x512xf32> -> vector<144x512xf32>
    %get3A_129 = arith.constant 0 : index
    %get3A_130 = arith.constant 0 : index
    %get3A_131 = vector.load %arg7[%get3A_129, %get3A_130] : memref<256x144xf32, #tpu.memory_space<vmem>>, vector<256x144xf32>
    %dot_general3A_132 = arith.constant dense<0.000000e+00> : vector<256x512xf32>
    %dot_general3A_133 = tpu.matmul %get3A_131, %concatenate3A_128, %dot_general3A_132 {dimension_numbers = #tpu.dot_dimension_numbers<[1], [0], [0], [1], [0, 0, 1, 1], [], []>, transpose_lhs_hint = false} : vector<256x144xf32>, vector<144x512xf32>, vector<256x512xf32> -> vector<256x512xf32>
    %get3A_134 = arith.constant 0 : index
    %get3A_135 = arith.constant 0 : index
    %get3A_136 = vector.load %arg8[%get3A_134, %get3A_135] : memref<256x1xf32, #tpu.memory_space<vmem>>, vector<256x1xf32>
    %add3A_137 = vector.broadcast %get3A_136 : vector<256x1xf32> to vector<256x512xf32>
    %add3A_138 = arith.addf %dot_general3A_133, %add3A_137 : vector<256x512xf32>
    %get3A_139 = arith.constant 0 : index
    %get3A_140 = arith.constant 0 : index
    %get3A_141 = vector.load %arg9[%get3A_139, %get3A_140] : memref<256x48xf32, #tpu.memory_space<vmem>>, vector<256x48xf32>
    %dot_general3A_142 = arith.constant dense<0.000000e+00> : vector<256x512xf32>
    %dot_general3A_143 = tpu.matmul %get3A_141, %get3A_111, %dot_general3A_142 {dimension_numbers = #tpu.dot_dimension_numbers<[1], [1], [0], [0], [0, 0, 1, 0], [], []>, transpose_lhs_hint = false} : vector<256x48xf32>, vector<512x48xf32>, vector<256x512xf32> -> vector<256x512xf32>
    %add3A_144 = arith.addf %add3A_138, %dot_general3A_143 : vector<256x512xf32>
    %max3A = arith.constant 0.000000e+00 : f32
    %max3A_145 = vector.broadcast %max3A : f32 to vector<256x512xf32>
    %max3A_146 = arith.maximumf %add3A_144, %max3A_145 : vector<256x512xf32>
    %swap3A_147 = arith.constant 0 : index
    %swap3A_148 = arith.constant 0 : index
    %swap3A_149 = arith.constant 0 : index
    %swap3A_150 = vector.load %arg10[%swap3A_147, %swap3A_148, %swap3A_149] : memref<1x256x512xf32, #tpu.memory_space<vmem>>, vector<1x256x512xf32>
    %swap3A_151 = vector.shape_cast %swap3A_150 : vector<1x256x512xf32> to vector<256x512xf32>
    %swap3A_152 = vector.shape_cast %max3A_146 : vector<256x512xf32> to vector<1x256x512xf32>
    tpu.vector_store %arg10[%swap3A_147, %swap3A_148, %swap3A_149], %swap3A_152 {strides = array<i32>} : memref<1x256x512xf32, #tpu.memory_space<vmem>>, vector<1x256x512xf32>,
    return
  }
  func.func @transform_0(%arg0: i32, %arg1: i32) -> (i32, i32, i32) {
    %c0_i32 = arith.constant 0 : i32
    %c0_i32_0 = arith.constant 0 : i32
    %c0_i32_1 = arith.constant 0 : i32
    return %arg0, %c0_i32, %c0_i32_0 : i32, i32, i32
  }
  func.func @transform_1(%arg0: i32, %arg1: i32) -> (i32, i32, i32) {
    %c0_i32 = arith.constant 0 : i32
    %c0_i32_0 = arith.constant 0 : i32
    %c0_i32_1 = arith.constant 0 : i32
    return %arg0, %c0_i32, %c0_i32_0 : i32, i32, i32
  }
  func.func @transform_2(%arg0: i32, %arg1: i32) -> (i32, i32, i32) {
    %c0_i32 = arith.constant 0 : i32
    %c0_i32_0 = arith.constant 0 : i32
    return %arg0, %c0_i32, %arg1 : i32, i32, i32
  }
  func.func @transform_3(%arg0: i32, %arg1: i32) -> (i32, i32, i32) {
    %c0_i32 = arith.constant 0 : i32
    %c0_i32_0 = arith.constant 0 : i32
    %c0_i32_1 = arith.constant 0 : i32
    return %arg0, %c0_i32, %c0_i32_0 : i32, i32, i32
  }
  func.func @transform_4(%arg0: i32, %arg1: i32) -> (i32, i32, i32) {
    %c0_i32 = arith.constant 0 : i32
    %c0_i32_0 = arith.constant 0 : i32
    return %arg0, %arg1, %c0_i32 : i32, i32, i32
  }
  func.func @transform_5(%arg0: i32, %arg1: i32) -> (i32, i32) {
    %c0_i32 = arith.constant 0 : i32
    %c0_i32_0 = arith.constant 0 : i32
    %c0_i32_1 = arith.constant 0 : i32
    return %c0_i32, %c0_i32_0 : i32, i32
  }
  func.func @transform_6(%arg0: i32, %arg1: i32) -> (i32, i32) {
    %c0_i32 = arith.constant 0 : i32
    %c0_i32_0 = arith.constant 0 : i32
    %c0_i32_1 = arith.constant 0 : i32
    return %c0_i32, %c0_i32_0 : i32, i32
  }
  func.func @transform_7(%arg0: i32, %arg1: i32) -> (i32, i32) {
    %c0_i32 = arith.constant 0 : i32
    %c0_i32_0 = arith.constant 0 : i32
    %c0_i32_1 = arith.constant 0 : i32
    return %c0_i32, %c0_i32_0 : i32, i32
  }
  func.func @transform_8(%arg0: i32, %arg1: i32) -> (i32, i32, i32) {
    %c0_i32 = arith.constant 0 : i32
    %c0_i32_0 = arith.constant 0 : i32
    return %arg0, %c0_i32, %arg1 : i32, i32, i32
  }
}

</mosaic_0001>

<sc_bundles>
// kernel: kernel.5.cloned.1.call-start
scs
__scs_entry_jumppad:
0x0: {  	(pc) =	sbr.rel $0x88, $3  }
0x1: {  	(tag) =	ssettag $0x0;
	lr =	simm.s32 $0x1  }
0x2: {  	[smem:$0x3F96] =	sst lr;
	_ =	strace $0xD0000000  }
0x3: {  	_ = 	snop  }
0x4: {  	_ = 	snop  }
0x5: {  	_ = 	snop  }
0x6: {  	_ = 	snop  }
0x7: {  	_ = 	snop  }
__scs_overlays_trampoline_lowered:
0x8: {  	[smem:$0x3FA5] =	sst s0  }
0x9: {  	[smem:$0x3FA6] =	sst s1  }
0xa: {  	[smem:$0x3FA7] =	sst s2  }
0xb: {  	[smem:$0x3FA8] =	sst s3  }
0xc: {  	[smem:$0x3FA9] =	sst s4  }
0xd: {  	[smem:$0x3FAA] =	sst s5  }
0xe: {  	[smem:$0x3FAB] =	sst s6  }
0xf: {  	[smem:$0x3FAC] =	sst s7  }
0x10: {  	[smem:$0x3FAD] =	sst s8  }
0x11: {  	[smem:$0x3FAE] =	sst s9;
	s0 =	simm.s32 @!p0 $0x0  }
0x12: {  	s1 =	sld [smem:$0x3F94];
	s0 =	simm.s32 @p0 $0x1  }
0x13: {  	[smem:$0x3FAF] =	sst s0;
	s0 =	simm.s32 @!p1 $0x0  }
0x14: {  	s2 =	sld [smem:$0x3F93];
	s0 =	simm.s32 @p1 $0x1  }
0x15: {  	[smem:$0x3FB0] =	sst s0;
	s0 =	simm.s32 @!p2 $0x0  }
0x16: {  	s3 =	sld [smem:$0x3FDB];
	s0 =	simm.s32 @p2 $0x1  }
0x17: {  	s4 =	simm.s32 $0x1BF5;
	[smem:$0x3FB2] =	sst s0  }
0x18: {  	s0 =	sld [smem:$0x3F95];
	_ =	swait.ge [sflag:s4], $0x0  }
0x19: {  	s7 =	sld [smem:$0x3F96]  }
0x1a: {  	s8 =	sadd.s32 $0xFFFFE003, lr  }
0x1b: {  	s9 =	sadd.s32 $0xFFFFFEF7, lr;
	s5 =	simm.s32 $0xFFFFFFFF;
	p2 =	slt.u32 s8, $0xFFFFF086  }
0x1c: {  	p1 =	slt.u32 s9, $0xF7A;
	s5 =	simm.s32 @!p2 $0x0  }
0x1d: {  	s5 =	simm.s32 @p1 $0x1;
	p0 =	seq.s32 s7, s2  }
0x1e: {  	s7 =	smul.u32 @!p0 $0xF7A, s2;
	p2 =	seq.s32 @!p0 s5, $0x0  }
0x1f: {  	s9 =	smul.u32 $0xF7A, s1;
	s8 =	simm.s32 @!p0 $0x1BF5;
	p2 =	por !p2, p0  }
0x20: {  	[sflag:s8] =	ssyncset.s32 @!p0 $0xFFFFF086;
	s6 =	sadd.s32 @!p0 s3, s7;
	s7 =	simm.s32 @!p0 $0x108  }
0x21: {  	s3 =	sadd.s32 s3, s9;
	s6 =	sadd.s32 @!p0 $0x88, s6;
	s7 =	simm.s32 @p2 $0x1082  }
0x22: {  	[simem:s7], [sflag:s8] =	dma.local @!p0 [hbm:s6], $0xF7A  }
0x23: {  	s9 =	sor.u32 $0xD0000000, s2;
	s6 =	simm.s32 $0x108;
	_ =	swait.ge @!p0 [sflag:s8], $0x0  }
0x24: {  	s3 =	sadd.s32 $0x88, s3;
	s6 =	simm.s32 @!p1 $0x1082;
	[sflag:s4] =	ssyncset.s32 $0xFFFFF086  }
0x25: {  	[simem:s6], [sflag:s4] =	dma.local [hbm:s3], $0xF7A  }
0x26: {  	[smem:$0x3F96] =	sst s1;
	(tag) =	ssettag s2;
	_ =	strace s9  }
0x27: {  	s1 =	sld [smem:$0x3FA6]  }
0x28: {  	s2 =	sld [smem:$0x3FA7]  }
0x29: {  	s4 =	sld [smem:$0x3FA9]  }
0x2a: {  	p0 =	seq.s32 s5, $0x0;
	s5 =	sld [smem:$0x3FAA]  }
0x2b: {  	s6 =	sld [smem:$0x3FAB]  }
0x2c: {  	s7 =	sld [smem:$0x3FAC]  }
0x2d: {  	s3 =	simm.s32 $0x108;
	s8 =	sld [smem:$0x3FAD]  }
0x2e: {  	s3 =	simm.s32 @!p0 $0x1082;
	s9 =	sld [smem:$0x3FAE]  }
0x2f: {  	lr =	sadd.s32 s0, s3;
	s0 =	sld [smem:$0x3FA5]  }
0x30: {  	s3 =	sld [smem:$0x3FA8]  }
0x31: {  	[smem:$0x3FB1] =	sst s10  }
0x32: {  	s10 =	sld [smem:$0x3FAF];
	_ =	sdelay $0x3  }
0x33: {  	p0 =	seq.s32 s10, $0x1;
	s10 =	sld [smem:$0x3FB1];
	_ =	sdelay $0x3  }
0x34: {  	[smem:$0x3FB1] =	sst s10  }
0x35: {  	s10 =	sld [smem:$0x3FB0];
	_ =	sdelay $0x3  }
0x36: {  	p1 =	seq.s32 s10, $0x1;
	s10 =	sld [smem:$0x3FB1];
	_ =	sdelay $0x3  }
0x37: {  	[smem:$0x3FB1] =	sst s10  }
0x38: {  	s10 =	sld [smem:$0x3FB2]  }
0x39: {  	_ = 	snop;
	(pc) =	sbr.ind lr, $3  }
0x3a: {  	_ = 	snop  }
0x3b: {  	_ = 	snop  }
0x3c: {  	p2 =	seq.s32 s10, $0x1;
	s10 =	sld [smem:$0x3FB1]  }
0x3d: {  	_ =	shalt  }
0x3e: {  	_ =	shalt  }
0x3f: {  	_ =	shalt  }
0x40: {  	_ =	shalt  }
0x41: {  	_ =	shalt  }
0x42: {  	_ =	shalt  }
0x43: {  	_ =	shalt  }
0x44: {  	_ =	shalt  }
0x45: {  	_ =	shalt  }
0x46: {  	_ =	shalt  }
0x47: {  	_ =	shalt  }
0x48: {  	_ =	shalt  }
0x49: {  	_ =	shalt  }
0x4a: {  	_ =	shalt  }
0x4b: {  	_ =	shalt  }
0x4c: {  	_ =	shalt  }
0x4d: {  	_ =	shalt  }
0x4e: {  	_ =	shalt  }
0x4f: {  	_ =	shalt  }
0x50: {  	_ =	shalt  }
0x51: {  	_ =	shalt  }
0x52: {  	_ =	shalt  }
0x53: {  	_ =	shalt  }
0x54: {  	_ =	shalt  }
0x55: {  	_ =	shalt  }
0x56: {  	_ =	shalt  }
0x57: {  	_ =	shalt  }
0x58: {  	_ =	shalt  }
0x59: {  	_ =	shalt  }
0x5a: {  	_ =	shalt  }
0x5b: {  	_ =	shalt  }
0x5c: {  	_ =	shalt  }
0x5d: {  	_ =	shalt  }
0x5e: {  	_ =	shalt  }
0x5f: {  	_ =	shalt  }
0x60: {  	_ =	shalt  }
0x61: {  	_ =	shalt  }
0x62: {  	_ =	shalt  }
0x63: {  	_ =	shalt  }
0x64: {  	_ =	shalt  }
0x65: {  	_ =	shalt  }
0x66: {  	_ =	shalt  }
0x67: {  	_ =	shalt  }
0x68: {  	_ =	shalt  }
0x69: {  	_ =	shalt  }
0x6a: {  	_ =	shalt  }
0x6b: {  	_ =	shalt  }
0x6c: {  	_ =	shalt  }
0x6d: {  	_ =	shalt  }
0x6e: {  	_ =	shalt  }
0x6f: {  	_ =	shalt  }
0x70: {  	_ =	shalt  }
0x71: {  	_ =	shalt  }
0x72: {  	_ =	shalt  }
0x73: {  	_ =	shalt  }
0x74: {  	_ =	shalt  }
0x75: {  	_ =	shalt  }
0x76: {  	_ =	shalt  }
0x77: {  	_ =	shalt  }
0x78: {  	_ =	shalt  }
0x79: {  	_ =	shalt  }
0x7a: {  	_ =	shalt  }
0x7b: {  	_ =	shalt  }
0x7c: {  	_ =	shalt  }
0x7d: {  	_ =	shalt  }
0x7e: {  	_ =	shalt  }
0x7f: {  	_ =	shalt  }
0x80: {  	_ =	shalt  }
0x81: {  	_ =	shalt  }
0x82: {  	_ =	shalt  }
0x83: {  	_ =	shalt  }
0x84: {  	_ =	shalt  }
0x85: {  	_ =	shalt  }
0x86: {  	_ =	shalt  }
0x87: {  	_ =	shalt  }
.Lfunc_end0:
.L_simem_size_0:
called_computation_lowered:
.L_overlay_start_0:
0x88: {  	s2 =	sld [smem:$0x3FD9]  }
0x89: {  	s3 =	sld [smem:$0x3FFE];
	_ =	sdelay $0x1  }
0x8a: {  	s1 =	srdreg.scid  }
0x8b: {  	s0 =	sand.u32 $0x1, s1  }
0x8c: {  	s17 =	sshll.u32 s0, $0xA;
	s2 =	sadd.s32 s3, s2  }
0x8d: {  	s2 =	sadd.s32 s2, s17  }
0x8e: {  	[smem:$0x3FBD] =	sst s2  }
0x8f: {  	_ = 	snop  }
0x90: {  	s2 =	sld [smem:$0x3FD0];
	(tm) =	ssettm $0x1  }
0x91: {  	s18 =	sld [smem:$0x3FFB];
	_ =	sdelay $0x3  }
0x92: {  	_ =	strace s18  }
0x93: {  	s3 =	sld [smem:$0x3FFC];
	_ =	sdelay $0x3  }
0x94: {  	_ =	strace s3  }
0x95: {  	s3 =	sld [smem:$0x3FFD];
	_ =	sdelay $0x3  }
0x96: {  	_ =	strace s3  }
0x97: {  	_ =	strace $0x8FFFFFFF  }
0x98: {  	s19 =	sld [smem:$0x3FDB];
	_ =	sdelay $0x1  }
0x99: {  	s4 =	simm.s32 $_scs_section_size  }
0x9a: {  	s5 =	simm.s32 $_size__tile_overlayer_lowered;
	s6 =	simm.s32 $_tile_overlayer_lowered  }
0x9b: {  	s22 =	simm.s32 $0x1BFF;
	s21 =	sshll.u32 s6, $0x1;
	s3 =	sadd.s32 s4, s19  }
0x9c: {  	s7 =	simm.s32 $0x0;
	s20 =	sshll.u32 s5, $0x1;
	s5 =	sadd.s32 s21, s3  }
0x9d: {  	[timem:s7], [sflag:s22] =	dma.local [hbm:s5], s20  }
0x9e: {  	_ =	swait.ge [sflag:s22], s20  }
0x9f: {  	s4 =	ssub.s32 $0x0, s20;
	[sflag:s22] =	ssyncset.done $0x0  }
0xa0: {  	[sflag:s22] =	ssyncadd.s32 s4;
	_ =	sdelay $0x1  }
0xa1: {  	s23 =	simm.s32 $0x1B8B  }
0xa2: {  	_ =	swait.ge [sflag:s23], $0x1  }
0xa3: {  	[sflag:s23] =	ssyncset.done $0x0  }
0xa4: {  	s25 =	simm.s32 $0x1B8E;
	s24 =	sld [smem:$0x3FFE];
	[sflag:s23] =	ssyncadd.s32 $0xFFFFFFFF  }
0xa5: {  	s26 =	simm.s32 $execute0_lowered;
	[smem:$0x3FD2] =	sst s25  }
0xa6: {  	s5 =	sshll.u32 s26, $0x1;
	_ =	strace $0x80000046;
	[dreg:$0x1] =	wrdreg $0xFFFFFFFF  }
0xa7: {  	s28 =	simm.s32 $_size_execute0_lowered;
	s3 =	sadd.s32 s3, s5;
	[dreg:$0x0] =	wrdreg $0x0  }
0xa8: {  	s5 =	sshll.u32 s28, $0x1;
	[dreg:$0x2] =	wrdreg s3  }
0xa9: {  	[dreg:$0x3] =	wrdreg s5  }
0xaa: {  	[dreg:$0x4] =	wrdreg $0xC0  }
0xab: {  	_ =	task [dreg:s7], $0x5FFFF  }
0xac: {  	[dreg:$0x1] =	wrdreg $0xFFFFFFFF  }
0xad: {  	[dreg:$0x0] =	wrdreg $0x60  }
0xae: {  	[dreg:$0x2] =	wrdreg s24  }
0xaf: {  	[dreg:$0x3] =	wrdreg s2  }
0xb0: {  	[dreg:$0x4] =	wrdreg $0x9  }
0xb1: {  	_ =	task.clear_ibuf [dreg:s7], $0x5FFFF;
	_ =	strace $0x90000046  }
0xb2: {  	s29 =	simm.s32 $0x9;
	_ =	strace $0x80000048  }
0xb3: {  	_ =	swait.ge [sflag:s29], $0x1  }
0xb4: {  	[sflag:s29] =	ssyncadd.s32 $0xFFFFFFFF  }
0xb5: {  	_ =	strace $0x90000048  }
0xb6: {  	_ =	sfence  }
0xb7: {  	s30 =	sld [smem:$0x0];
	_ =	sdelay $0x2  }
0xb8: {  	s31 =	sshll.u32 s1, $0xD;
	s1 =	sshrl.u32 s1, $0x2  }
0xb9: {  	s3 =	sand.u32 $0x4000, s31;
	s1 =	sadd.s32 s1, s30  }
0xba: {  	s0 =	sor.u32 s3, s0;
	s1 =	sshll.u32 s1, $0x11  }
0xbb: {  	s0 =	sor.u32 s1, s0  }
0xbc: {  	s0 =	sadd.s32 $0x8F2B, s0  }
0xbd: {  	[sflag:s0] =	ssyncadd.remote.s32 $0x1  }
0xbe: {  	_ =	sfence.sel $0xFFFF  }
0xbf: {  	[dreg:$0x0] =	wrdreg $0xFFFFFFFF;
	(pc) =	sbr.abs _section_cstart, $3  }
0xc0: {  	[dreg:$0x1] =	wrdreg $0xFFFFFFFF  }
0xc1: {  	_ =	task.clear_ibuf [dreg:s7], $0x2FFFF;
	_ =	strace $0x9FFFFFFF  }
0xc2: {  	(tm) =	ssettm $0x7FFFFFFF  }
0xc3: {  	_ =	shalt  }
tec
execute0_lowered:
.L_overlay_start_1:
0x0: {  	(tag) =	ssettag $0x1  }
0x1: {  	s1 =	srdreg.scid  }
0x2: {  	s0 =	stileid.u32;
	s6 =	sand.u32 $0x1, s1  }
0x3: {  	s5 =	rddreg [dreg:$0x0];
	s30 =	sshll.u32 s0, $0x9;
	s2 =	sshll.u32 s6, $0x8  }
0x4: {  	s8 =	rddreg [dreg:$0x1];
	s9 =	sor.u32 s2, s30  }
0x5: {  	s1 =	rddreg [dreg:$0x2];
	s2 =	simm.s32 $0x0;
	s3 =	sshrl.u32 s9, $0x3  }
0x6: {  	s10 =	ssub.s32 $0x2, s6;
	[smem:$0x7FF] =	sst s2;
	s3 =	sadd.s32 s3, s5  }
0x7: {  	_ =	strace $0x80000047;
	s4 =	sadd.s32 $0x1400, s3;
	s3 =	simm.s32 $0x2  }
0x8: {  	[tilespmem:s2], [sflag:$0x2] =	stream.linear.gather [hbm4b:s4+s2], $0x100, $0x38;
	[tilespmem:$0x8100] =	vst v63  }
0x9: {  	s7 =	simm.s32 $0x1;
	s11 =	sshrl.u32 s10, $0x1;
	_ =	swait.ge [sflag:s3], $0x100  }
0xa: {  	s6 =	simm.s32 $0x100;
	s10 =	ssub.s32 s10, s11;
	[sflag:s3] =	ssyncset.done $0x0  }
0xb: {  	s5 =	sadd.s32 $0x1800, s5;
	s31 =	smax.u32 s10, $0x1;
	[sflag:s3] =	ssyncadd.s32 $0xFFFFFF00  }
0xc: {  	[tilespmem:s6], [sflag:$0x1] =	stream.indirect.gather [hbm4b:s5+s6], $0x80, s2, s6, $0xb8;
	[tilespmem:$0x8100] =	vst v63  }
0xd: {  	p0 =	sne.s32 s31, $0x1;
	_ =	swait.ge [sflag:s7], $0x8000  }
.Ltmp0:
0xe: {  	s9 =	sshll.u32 s9, $0x4;
	[sflag:s7] =	ssyncset.done $0x0;
	(pc) =	sbr.rel @!p0 .LBB2_2-.Ltmp0, $4  }
0xf: {  	s8 =	sadd.s32 s8, s9;
	[sflag:s7] =	ssyncadd.s32 $0xFFFF8000  }
0x10: {  	[hbm4b:s8+s2] =	stream.linear.scatter [tilespmem:s6], [sflag:$0x2], $0x8000, $0x38;
	[tilespmem:$0x8100] =	vst v63  }
0x11: {  	_ =	swait.ge [sflag:s3], $0x8000  }
0x12: {  	s9 =	sadd.s32 $0xFFFFFFFF, s31;
	[sflag:s3] =	ssyncset.done $0x0  }
.LBB2_1:
0x13: {  	p0 =	sne.s32 s9, $0x1;
	s9 =	sadd.s32 $0xFFFFFFFF, s9;
	[sflag:s3] =	ssyncadd.s32 $0xFFFF8000  }
0x14: {  	[tilespmem:s2], [sflag:$0x2] =	stream.linear.gather [hbm4b:s4+s2], $0x100, $0x38;
	[tilespmem:$0x8100] =	vst v63  }
0x15: {  	_ =	swait.ge [sflag:s3], $0x100  }
0x16: {  	[sflag:s3] =	ssyncset.done $0x0  }
0x17: {  	[sflag:s3] =	ssyncadd.s32 $0xFFFFFF00  }
0x18: {  	[tilespmem:s6], [sflag:$0x1] =	stream.indirect.gather [hbm4b:s5+s6], $0x80, s2, s6, $0xb8;
	[tilespmem:$0x8100] =	vst v63  }
0x19: {  	_ =	swait.ge [sflag:s7], $0x8000  }
.Ltmp1:
0x1a: {  	[sflag:s7] =	ssyncset.done $0x0;
	(pc) =	sbr.rel @p0 .LBB2_1-.Ltmp1, $4  }
0x1b: {  	[sflag:s7] =	ssyncadd.s32 $0xFFFF8000  }
0x1c: {  	[hbm4b:s8+s2] =	stream.linear.scatter [tilespmem:s6], [sflag:$0x2], $0x8000, $0x38;
	[tilespmem:$0x8100] =	vst v63  }
0x1d: {  	_ =	swait.ge [sflag:s3], $0x8000  }
0x1e: {  	[sflag:s3] =	ssyncset.done $0x0  }
.LBB2_2:
0x1f: {  	[sflag:s3] =	ssyncadd.s32 $0xFFFF8000  }
0x20: {  	_ =	sfence.sel $0x180000  }
0x21: {  	[bflag:$0x0] =	sbarrier.arrive $0xFFFF  }
0x22: {  	p0 =	sne.s32 s0, $0x0;
	_ =	strace $0x90000047  }
0x23: {  	s0 =	sadd.s32 @!p0 $0x100000, s1;
	[bflag:$0x2] =	sbarrier.arrive $0xFFFF  }
0x24: {  	[sflag:s0] =	ssyncadd.tile.s32 @!p0 $0x1;
	_ =	shalt  }
.Lfunc_end2:
_tile_overlayer_lowered:
.L_overlay_start_2:
0x25: {  	(tag) =	ssettag $0x2  }
0x26: {  	s0 =	rddreg [dreg:$0x0];
	s2 =	stileid.u32  }
0x27: {  	s1 =	rddreg [dreg:$0x1];
	p0 =	sne.s32 s2, $0x0  }
0x28: {  	s3 =	rddreg [dreg:$0x2];
	[bflag:$0x3] =	sbarrier.arrive $0xFFFF;
	s2 =	simm.s32 @!p0 $0x1C02  }
0x29: {  	[timem:s3], [sflag:s2] =	dma.local @!p0 [hbm:s0], s1  }
0x2a: {  	s0 =	simm.s32 @!p0 $0x2  }
0x2b: {  	_ =	swait.ge @!p0 [sflag:s0], s1  }
0x2c: {  	s1 =	ssub.s32 @!p0 $0x0, s1;
	[sflag:s0] =	ssyncset.done @!p0 $0x0  }
0x2d: {  	[sflag:s0] =	ssyncadd.s32 @!p0 s1  }
0x2e: {  	[bflag:$0x3] =	sbarrier.arrive $0xFFFF  }
0x2f: {  	_ =	shalt  }

</sc_bundles>
